<compile_context>
chip_gen: v7x
topology: tpu7x:2x2x1
jax: 0.10.2.dev20260603
libtpu: 0.0.44.dev20260713+nightly
codegen_flags: <defaults>
</compile_context>

<pallas_src>
import functools

import jax
import jax.numpy as jnp
from jax import lax
from jax.experimental import pallas as pl
from jax.experimental.pallas import tpu as pltpu
from jax.experimental.pallas import tpu_sc as plsc

NUM_GRAPHS = 64
REUSE_WEIGHT = 0.01

NC = 2
NS = 16
L = 16
NW = NC * NS
ROWS = 100000
D = 128
RPW = ROWS // NW
CHUNK = 125
NCHUNK = RPW // CHUNK
NCHUNK_PAD = 2 * L
SEG_PAD = NUM_GRAPHS + 1
NBUF = 6
IDXF = 3160
RUNROLL = 5


def _seg_body(codes_hbm, batch_hbm, sums_out, cnts_out,
              idx_v, idxrow_v, bufs, ones_v, csum_v, c125_v, fid_v,
              sums_sh, cnts_sh, load_sems, idx_sem):
    c = lax.axis_index("c")
    s = lax.axis_index("s")
    wid = s * NC + c
    base = wid * RPW

    zvec = jnp.zeros((L,), jnp.float32)

    def load(j):
        pltpu.async_copy(codes_hbm.at[pl.ds(base + j * CHUNK, CHUNK)],
                         bufs.at[j % NBUF],
                         load_sems.at[j % NBUF])

    def wait_load(j):
        pltpu.make_async_copy(codes_hbm.at[pl.ds(base + j * CHUNK, CHUNK)],
                              bufs.at[j % NBUF],
                              load_sems.at[j % NBUF]).wait()

    for j in range(NBUF - 1):
        load(j)
    start = jnp.minimum((base // 8) * 8, ((ROWS - IDXF) // 8) * 8)
    off_in = base - start
    idx_cp = pltpu.async_copy(batch_hbm.at[pl.ds(start, IDXF)],
                              idx_v, idx_sem)

    for i in range(4):
        for jj in range(D // L):
            csum_v[i, pl.ds(jj * L, L)] = zvec
        c125_v[i, :] = zvec
    pltpu.sync_copy(csum_v.at[pl.ds(0, 4)], sums_sh.at[pl.ds(s * 4, 4)])

    @pl.when(s == 0)
    def _init():
        pltpu.sync_copy(csum_v.at[pl.ds(0, 1)],
                        sums_sh.at[pl.ds(NUM_GRAPHS, 1)])
        def zrow(i, carry):
            ones_v[i, :] = zvec
            return carry
        lax.fori_loop(0, SEG_PAD, zrow, 0)
        pltpu.sync_copy(ones_v.at[pl.ds(0, SEG_PAD)], cnts_sh)

    plsc.subcore_barrier()

    ovec = jnp.ones((L,), jnp.float32)

    def orow(i, carry):
        ones_v[i, :] = ovec
        return carry
    lax.fori_loop(0, CHUNK, orow, 0)

    cvec = jnp.full((L,), float(CHUNK), jnp.float32)
    for i in range(NCHUNK_PAD):
        c125_v[i, :] = cvec

    idx_cp.wait()

    lane_iota = lax.iota(jnp.int32, L)
    mark = jnp.full((L,), NUM_GRAPHS, jnp.int32)

    def chunk_body(j, carry):
        f0, f1 = carry

        @pl.when(j + NBUF - 1 < NCHUNK)
        def _prefetch():
            load(j + NBUF - 1)

        wait_load(j)
        buf = bufs.at[j % NBUF]

        rowbase = off_in + j * CHUNK
        vmin = idx_v[pl.ds(rowbase, L)]
        vmax = vmin
        for off in (16, 32, 48, 64, 80, 96, 109):
            sl = idx_v[pl.ds(rowbase + off, L)]
            vmin = jnp.minimum(vmin, sl)
            vmax = jnp.maximum(vmax, sl)
        smin = lax.reduce_min(vmin, axes=(0,))
        smax = lax.reduce_max(vmax, axes=(0,))
        mixed = smin != smax
        fid_j = jnp.where(mixed, NUM_GRAPHS, smin)
        lane = j % L
        upd = lane_iota == lane
        f0 = jnp.where(jnp.logical_and(j < L, upd), fid_j, f0)
        f1 = jnp.where(jnp.logical_and(j >= L, upd), fid_j, f1)

        @pl.when(mixed)
        def _fallback():
            for off in (0, 16, 32, 48, 64, 80, 96, 109):
                idxrow_v[pl.ds(off, L)] = idx_v[pl.ds(rowbase + off, L)]
            pltpu.sync_copy(buf, sums_sh.at[idxrow_v], add=True)
            pltpu.sync_copy(ones_v, cnts_sh.at[idxrow_v], add=True)

        @pl.when(jnp.logical_not(mixed))
        def _reduce():
            def rbody(r5, accs):
                accs = list(accs)
                for rr in range(RUNROLL):
                    r = r5 * RUNROLL + rr
                    for jj in range(D // L):
                        accs[jj] = accs[jj] + buf[r, pl.ds(jj * L, L)]
                return tuple(accs)
            accs = lax.fori_loop(0, CHUNK // RUNROLL, rbody,
                                 tuple(zvec for _ in range(D // L)))
            for jj in range(D // L):
                csum_v[j, pl.ds(jj * L, L)] = accs[jj]
        return f0, f1

    f0, f1 = lax.fori_loop(0, NCHUNK, chunk_body,
                           (jnp.zeros((L,), jnp.int32), mark))
    fid_v[pl.ds(0, L)] = f0
    fid_v[pl.ds(L, L)] = f1
    pltpu.sync_copy(csum_v, sums_sh.at[fid_v], add=True)
    pltpu.sync_copy(c125_v, cnts_sh.at[fid_v], add=True)

    plsc.subcore_barrier()

    @pl.when(s == 0)
    def _flush():
        pltpu.sync_copy(sums_sh, bufs.at[0].at[pl.ds(0, SEG_PAD)])
        pltpu.sync_copy(bufs.at[0].at[pl.ds(0, SEG_PAD)], sums_out.at[c])
        pltpu.sync_copy(cnts_sh, ones_v.at[pl.ds(0, SEG_PAD)])
        pltpu.sync_copy(ones_v.at[pl.ds(0, SEG_PAD)], cnts_out.at[c])


@functools.lru_cache(maxsize=1)
def _make_seg_reduce():
    return functools.partial(
        pl.kernel,
        out_type=[
            jax.ShapeDtypeStruct((NC, SEG_PAD, D), jnp.float32),
            jax.ShapeDtypeStruct((NC, SEG_PAD, L), jnp.float32),
        ],
        mesh=plsc.VectorSubcoreMesh(core_axis_name="c", subcore_axis_name="s"),
        scratch_types=[
            pltpu.VMEM((IDXF,), jnp.int32),
            pltpu.VMEM((CHUNK,), jnp.int32),
            pltpu.VMEM((NBUF, CHUNK, D), jnp.float32),
            pltpu.VMEM((CHUNK, L), jnp.float32),
            pltpu.VMEM((NCHUNK_PAD, D), jnp.float32),
            pltpu.VMEM((NCHUNK_PAD, L), jnp.float32),
            pltpu.VMEM((NCHUNK_PAD,), jnp.int32),
            pltpu.VMEM_SHARED((SEG_PAD, D), jnp.float32),
            pltpu.VMEM_SHARED((SEG_PAD, L), jnp.float32),
            pltpu.SemaphoreType.DMA((NBUF,)),
            pltpu.SemaphoreType.DMA,
        ],
        compiler_params=pltpu.CompilerParams(use_tc_tiling_on_sc=False,
                                             needs_layout_passes=False),
    )(_seg_body)


def _fin_body(s_hbm, c_hbm, o_ref, s_v, c_v, sem_s, sem_c):
    cp_s = pltpu.make_async_copy(s_hbm, s_v, sem_s)
    cp_c = pltpu.make_async_copy(c_hbm, c_v, sem_c)
    cp_s.start()
    cp_c.start()
    cp_s.wait()
    cp_c.wait()
    sums = s_v[0, :NUM_GRAPHS, :] + s_v[1, :NUM_GRAPHS, :]
    counts = c_v[0, :NUM_GRAPHS, 0:1] + c_v[1, :NUM_GRAPHS, 0:1]
    means = sums / counts
    mu = jnp.mean(means, axis=0, keepdims=True)
    dev = means - mu
    var = jnp.sum(dev * dev, axis=0) / (NUM_GRAPHS - 1)
    o_ref[...] = jnp.reshape(-REUSE_WEIGHT * jnp.mean(var), (1, 1))


def kernel(sparse_codes, batch):
    sums, cnts = _make_seg_reduce()(sparse_codes, batch.astype(jnp.int32))
    out = pl.pallas_call(
        _fin_body,
        in_specs=[pl.BlockSpec(memory_space=pltpu.MemorySpace.HBM),
                  pl.BlockSpec(memory_space=pltpu.MemorySpace.HBM)],
        out_shape=jax.ShapeDtypeStruct((1, 1), jnp.float32),
        scratch_shapes=[
            pltpu.VMEM((NC, SEG_PAD, D), jnp.float32),
            pltpu.VMEM((NC, SEG_PAD, L), jnp.float32),
            pltpu.SemaphoreType.DMA,
            pltpu.SemaphoreType.DMA,
        ],
    )(sums, cnts)
    return out[0, 0]

# --- scband reference (transcript-rebuilt; emitter-appended) ---
"""Pipeline reference for scband-global-pattern-regularizer-25812753449664 (READ-ONLY COPY).

The authoritative reference and input builder live on the scoring server;
editing this copy changes nothing except your own understanding.
"""

import jax, jax.numpy as jnp
import numpy as np

NUM_GRAPHS = 64
REUSE_WEIGHT = 0.01

def setup_inputs(seed: int = 0) -> dict:
    key = jax.random.key(seed)
    k1, k2 = jax.random.split(key)
    sparse_codes = jax.random.normal(k1, (100000, 128), dtype=jnp.float32)
    batch = jnp.sort(jax.random.randint(k2, (100000,), 0, NUM_GRAPHS, dtype=jnp.int64))
    return {"sparse_codes": sparse_codes, "batch": batch}

def reference(sparse_codes, batch):
    # per-graph mean of sparse codes (segment mean)
    sums = jax.ops.segment_sum(sparse_codes, batch, num_segments=NUM_GRAPHS)
    counts = jax.ops.segment_sum(
        jnp.ones((sparse_codes.shape[0],), dtype=sparse_codes.dtype),
        batch, num_segments=NUM_GRAPHS)
    graph_codes = sums / counts[:, None]  # [NUM_GRAPHS, num_atoms]
    # variance of atom usage across graphs (torch default: unbiased, ddof=1)
    atom_variances = jnp.var(graph_codes, axis=0, ddof=1)  # [num_atoms]
    reuse_loss = -REUSE_WEIGHT * jnp.mean(atom_variances)
    return reuse_loss

if __name__ == "__main__":
    import jax
    _d = setup_inputs()
    print(jax.jit(kernel)(*tuple(_d.values())))

</pallas_src>

<mosaic_0001>
#map = affine_map<(d0, d1) -> (0, 0)>
#map1 = affine_map<(d0, d1) -> (0)>
#map2 = affine_map<(d0, d1) -> (0, 0, 0)>
module attributes {stable_mosaic.version = 14 : i64} {
  func.func @_seg_body(%arg0: i32, %arg1: i32, %arg2: memref<100000x128xf32, #tpu.memory_space<hbm>>, %arg3: memref<100000xi32, #tpu.memory_space<hbm>>, %arg4: memref<2x65x128xf32, #tpu.memory_space<hbm>>, %arg5: memref<2x65x16xf32, #tpu.memory_space<hbm>>, %arg6: memref<3160xi32, #tpu.memory_space<vmem>>, %arg7: memref<125xi32, #tpu.memory_space<vmem>>, %arg8: memref<6x125x128xf32, #tpu.memory_space<vmem>>, %arg9: memref<125x16xf32, #tpu.memory_space<vmem>>, %arg10: memref<32x128xf32, #tpu.memory_space<vmem>>, %arg11: memref<32x16xf32, #tpu.memory_space<vmem>>, %arg12: memref<32xi32, #tpu.memory_space<vmem>>, %arg13: memref<65x128xf32, #tpu.memory_space<vmem_shared>>, %arg14: memref<65x16xf32, #tpu.memory_space<vmem_shared>>, %arg15: memref<6x!tpu.dma_semaphore, #tpu.memory_space<semaphore_mem>>, %arg16: memref<!tpu.dma_semaphore, #tpu.memory_space<semaphore_mem>>) attributes {dimension_semantics = [#tpu.dimension_semantics<core_parallel>, #tpu.dimension_semantics<subcore_parallel>], iteration_bounds = array<i64: 2, 16>, scalar_prefetch = 0 : i64, scratch_operands = 11 : i64, tpu.core_type = #tpu.core_type<sc_vector_subcore>, window_params = [{transform_indices = #map}, {transform_indices = #map1}, {transform_indices = #map2}, {transform_indices = #map2}]} {
    %mul3A = arith.constant 2 : i32
    %mul3A_0 = arith.muli %arg1, %mul3A : i32
    %add3A = arith.addi %mul3A_0, %arg0 : i32
    %mul3A_1 = arith.constant 3125 : i32
    %mul3A_2 = arith.muli %add3A, %mul3A_1 : i32
    %broadcast_in_dim3A = arith.constant 0.000000e+00 : f32
    %broadcast_in_dim3A_3 = vector.broadcast %broadcast_in_dim3A : f32 to vector<16xf32>
    %add3A_4 = arith.constant 0 : i32
    %add3A_5 = arith.addi %mul3A_2, %add3A_4 : i32
    %dma_start3A = arith.constant 0 : i32
    %dma_start3A_6 = arith.constant 0 : i32
    %dma_start3A_7 = arith.constant 0 : i32
    %dma_start3A_8 = arith.constant 0 : i32
    %dma_start3A_9 = tpu.memref_slice %arg8[%dma_start3A, %dma_start3A_7, %dma_start3A_8] : memref<6x125x128xf32, #tpu.memory_space<vmem>> -> memref<1x125x128xf32, #tpu.memory_space<vmem>>
    %dma_start3A_10 = tpu.memref_squeeze %dma_start3A_9 : memref<1x125x128xf32, #tpu.memory_space<vmem>> -> memref<125x128xf32, #tpu.memory_space<vmem>>
    %dma_start3A_11 = arith.constant 0 : i32
    %dma_start3A_12 = tpu.memref_slice %arg2[%add3A_5, %dma_start3A_11] : memref<100000x128xf32, #tpu.memory_space<hbm>> -> memref<125x128xf32, #tpu.memory_space<hbm>>
    %dma_start3A_13 = tpu.memref_slice %arg15[%dma_start3A_6] : memref<6x!tpu.dma_semaphore, #tpu.memory_space<semaphore_mem>> -> memref<1x!tpu.dma_semaphore, #tpu.memory_space<semaphore_mem>>
    %dma_start3A_14 = tpu.memref_squeeze %dma_start3A_13 : memref<1x!tpu.dma_semaphore, #tpu.memory_space<semaphore_mem>> -> memref<!tpu.dma_semaphore, #tpu.memory_space<semaphore_mem>>
    %dma_start3A_15 = arith.constant 0 : i32
    %dma_start3A_16 = arith.constant 0 : i32
    %dma_start3A_17 = tpu.memref_slice %arg8[%dma_start3A, %dma_start3A_15, %dma_start3A_16] : memref<6x125x128xf32, #tpu.memory_space<vmem>> -> memref<1x125x128xf32, #tpu.memory_space<vmem>>
    %dma_start3A_18 = tpu.memref_squeeze %dma_start3A_17 : memref<1x125x128xf32, #tpu.memory_space<vmem>> -> memref<125x128xf32, #tpu.memory_space<vmem>>
    %dma_start3A_19 = arith.constant 0 : i32
    %dma_start3A_20 = tpu.memref_slice %arg2[%add3A_5, %dma_start3A_19] : memref<100000x128xf32, #tpu.memory_space<hbm>> -> memref<125x128xf32, #tpu.memory_space<hbm>>
    tpu.enqueue_dma source(%dma_start3A_20 : memref<125x128xf32, #tpu.memory_space<hbm>>) target(%dma_start3A_18 : memref<125x128xf32, #tpu.memory_space<vmem>>) target_semaphore(%dma_start3A_14 : memref<!tpu.dma_semaphore, #tpu.memory_space<semaphore_mem>>)
    %add3A_21 = arith.constant 125 : i32
    %add3A_22 = arith.addi %mul3A_2, %add3A_21 : i32
    %dma_start3A_23 = arith.constant 1 : i32
    %dma_start3A_24 = arith.constant 1 : i32
    %dma_start3A_25 = arith.constant 0 : i32
    %dma_start3A_26 = arith.constant 0 : i32
    %dma_start3A_27 = tpu.memref_slice %arg8[%dma_start3A_23, %dma_start3A_25, %dma_start3A_26] : memref<6x125x128xf32, #tpu.memory_space<vmem>> -> memref<1x125x128xf32, #tpu.memory_space<vmem>>
    %dma_start3A_28 = tpu.memref_squeeze %dma_start3A_27 : memref<1x125x128xf32, #tpu.memory_space<vmem>> -> memref<125x128xf32, #tpu.memory_space<vmem>>
    %dma_start3A_29 = arith.constant 0 : i32
    %dma_start3A_30 = tpu.memref_slice %arg2[%add3A_22, %dma_start3A_29] : memref<100000x128xf32, #tpu.memory_space<hbm>> -> memref<125x128xf32, #tpu.memory_space<hbm>>
    %dma_start3A_31 = tpu.memref_slice %arg15[%dma_start3A_24] : memref<6x!tpu.dma_semaphore, #tpu.memory_space<semaphore_mem>> -> memref<1x!tpu.dma_semaphore, #tpu.memory_space<semaphore_mem>>
    %dma_start3A_32 = tpu.memref_squeeze %dma_start3A_31 : memref<1x!tpu.dma_semaphore, #tpu.memory_space<semaphore_mem>> -> memref<!tpu.dma_semaphore, #tpu.memory_space<semaphore_mem>>
    %dma_start3A_33 = arith.constant 0 : i32
    %dma_start3A_34 = arith.constant 0 : i32
    %dma_start3A_35 = tpu.memref_slice %arg8[%dma_start3A_23, %dma_start3A_33, %dma_start3A_34] : memref<6x125x128xf32, #tpu.memory_space<vmem>> -> memref<1x125x128xf32, #tpu.memory_space<vmem>>
    %dma_start3A_36 = tpu.memref_squeeze %dma_start3A_35 : memref<1x125x128xf32, #tpu.memory_space<vmem>> -> memref<125x128xf32, #tpu.memory_space<vmem>>
    %dma_start3A_37 = arith.constant 0 : i32
    %dma_start3A_38 = tpu.memref_slice %arg2[%add3A_22, %dma_start3A_37] : memref<100000x128xf32, #tpu.memory_space<hbm>> -> memref<125x128xf32, #tpu.memory_space<hbm>>
    tpu.enqueue_dma source(%dma_start3A_38 : memref<125x128xf32, #tpu.memory_space<hbm>>) target(%dma_start3A_36 : memref<125x128xf32, #tpu.memory_space<vmem>>) target_semaphore(%dma_start3A_32 : memref<!tpu.dma_semaphore, #tpu.memory_space<semaphore_mem>>)
    %add3A_39 = arith.constant 250 : i32
    %add3A_40 = arith.addi %mul3A_2, %add3A_39 : i32
    %dma_start3A_41 = arith.constant 2 : i32
    %dma_start3A_42 = arith.constant 2 : i32
    %dma_start3A_43 = arith.constant 0 : i32
    %dma_start3A_44 = arith.constant 0 : i32
    %dma_start3A_45 = tpu.memref_slice %arg8[%dma_start3A_41, %dma_start3A_43, %dma_start3A_44] : memref<6x125x128xf32, #tpu.memory_space<vmem>> -> memref<1x125x128xf32, #tpu.memory_space<vmem>>
    %dma_start3A_46 = tpu.memref_squeeze %dma_start3A_45 : memref<1x125x128xf32, #tpu.memory_space<vmem>> -> memref<125x128xf32, #tpu.memory_space<vmem>>
    %dma_start3A_47 = arith.constant 0 : i32
    %dma_start3A_48 = tpu.memref_slice %arg2[%add3A_40, %dma_start3A_47] : memref<100000x128xf32, #tpu.memory_space<hbm>> -> memref<125x128xf32, #tpu.memory_space<hbm>>
    %dma_start3A_49 = tpu.memref_slice %arg15[%dma_start3A_42] : memref<6x!tpu.dma_semaphore, #tpu.memory_space<semaphore_mem>> -> memref<1x!tpu.dma_semaphore, #tpu.memory_space<semaphore_mem>>
    %dma_start3A_50 = tpu.memref_squeeze %dma_start3A_49 : memref<1x!tpu.dma_semaphore, #tpu.memory_space<semaphore_mem>> -> memref<!tpu.dma_semaphore, #tpu.memory_space<semaphore_mem>>
    %dma_start3A_51 = arith.constant 0 : i32
    %dma_start3A_52 = arith.constant 0 : i32
    %dma_start3A_53 = tpu.memref_slice %arg8[%dma_start3A_41, %dma_start3A_51, %dma_start3A_52] : memref<6x125x128xf32, #tpu.memory_space<vmem>> -> memref<1x125x128xf32, #tpu.memory_space<vmem>>
    %dma_start3A_54 = tpu.memref_squeeze %dma_start3A_53 : memref<1x125x128xf32, #tpu.memory_space<vmem>> -> memref<125x128xf32, #tpu.memory_space<vmem>>
    %dma_start3A_55 = arith.constant 0 : i32
    %dma_start3A_56 = tpu.memref_slice %arg2[%add3A_40, %dma_start3A_55] : memref<100000x128xf32, #tpu.memory_space<hbm>> -> memref<125x128xf32, #tpu.memory_space<hbm>>
    tpu.enqueue_dma source(%dma_start3A_56 : memref<125x128xf32, #tpu.memory_space<hbm>>) target(%dma_start3A_54 : memref<125x128xf32, #tpu.memory_space<vmem>>) target_semaphore(%dma_start3A_50 : memref<!tpu.dma_semaphore, #tpu.memory_space<semaphore_mem>>)
    %add3A_57 = arith.constant 375 : i32
    %add3A_58 = arith.addi %mul3A_2, %add3A_57 : i32
    %dma_start3A_59 = arith.constant 3 : i32
    %dma_start3A_60 = arith.constant 3 : i32
    %dma_start3A_61 = arith.constant 0 : i32
    %dma_start3A_62 = arith.constant 0 : i32
    %dma_start3A_63 = tpu.memref_slice %arg8[%dma_start3A_59, %dma_start3A_61, %dma_start3A_62] : memref<6x125x128xf32, #tpu.memory_space<vmem>> -> memref<1x125x128xf32, #tpu.memory_space<vmem>>
    %dma_start3A_64 = tpu.memref_squeeze %dma_start3A_63 : memref<1x125x128xf32, #tpu.memory_space<vmem>> -> memref<125x128xf32, #tpu.memory_space<vmem>>
    %dma_start3A_65 = arith.constant 0 : i32
    %dma_start3A_66 = tpu.memref_slice %arg2[%add3A_58, %dma_start3A_65] : memref<100000x128xf32, #tpu.memory_space<hbm>> -> memref<125x128xf32, #tpu.memory_space<hbm>>
    %dma_start3A_67 = tpu.memref_slice %arg15[%dma_start3A_60] : memref<6x!tpu.dma_semaphore, #tpu.memory_space<semaphore_mem>> -> memref<1x!tpu.dma_semaphore, #tpu.memory_space<semaphore_mem>>
    %dma_start3A_68 = tpu.memref_squeeze %dma_start3A_67 : memref<1x!tpu.dma_semaphore, #tpu.memory_space<semaphore_mem>> -> memref<!tpu.dma_semaphore, #tpu.memory_space<semaphore_mem>>
    %dma_start3A_69 = arith.constant 0 : i32
    %dma_start3A_70 = arith.constant 0 : i32
    %dma_start3A_71 = tpu.memref_slice %arg8[%dma_start3A_59, %dma_start3A_69, %dma_start3A_70] : memref<6x125x128xf32, #tpu.memory_space<vmem>> -> memref<1x125x128xf32, #tpu.memory_space<vmem>>
    %dma_start3A_72 = tpu.memref_squeeze %dma_start3A_71 : memref<1x125x128xf32, #tpu.memory_space<vmem>> -> memref<125x128xf32, #tpu.memory_space<vmem>>
    %dma_start3A_73 = arith.constant 0 : i32
    %dma_start3A_74 = tpu.memref_slice %arg2[%add3A_58, %dma_start3A_73] : memref<100000x128xf32, #tpu.memory_space<hbm>> -> memref<125x128xf32, #tpu.memory_space<hbm>>
    tpu.enqueue_dma source(%dma_start3A_74 : memref<125x128xf32, #tpu.memory_space<hbm>>) target(%dma_start3A_72 : memref<125x128xf32, #tpu.memory_space<vmem>>) target_semaphore(%dma_start3A_68 : memref<!tpu.dma_semaphore, #tpu.memory_space<semaphore_mem>>)
    %add3A_75 = arith.constant 500 : i32
    %add3A_76 = arith.addi %mul3A_2, %add3A_75 : i32
    %dma_start3A_77 = arith.constant 4 : i32
    %dma_start3A_78 = arith.constant 4 : i32
    %dma_start3A_79 = arith.constant 0 : i32
    %dma_start3A_80 = arith.constant 0 : i32
    %dma_start3A_81 = tpu.memref_slice %arg8[%dma_start3A_77, %dma_start3A_79, %dma_start3A_80] : memref<6x125x128xf32, #tpu.memory_space<vmem>> -> memref<1x125x128xf32, #tpu.memory_space<vmem>>
    %dma_start3A_82 = tpu.memref_squeeze %dma_start3A_81 : memref<1x125x128xf32, #tpu.memory_space<vmem>> -> memref<125x128xf32, #tpu.memory_space<vmem>>
    %dma_start3A_83 = arith.constant 0 : i32
    %dma_start3A_84 = tpu.memref_slice %arg2[%add3A_76, %dma_start3A_83] : memref<100000x128xf32, #tpu.memory_space<hbm>> -> memref<125x128xf32, #tpu.memory_space<hbm>>
    %dma_start3A_85 = tpu.memref_slice %arg15[%dma_start3A_78] : memref<6x!tpu.dma_semaphore, #tpu.memory_space<semaphore_mem>> -> memref<1x!tpu.dma_semaphore, #tpu.memory_space<semaphore_mem>>
    %dma_start3A_86 = tpu.memref_squeeze %dma_start3A_85 : memref<1x!tpu.dma_semaphore, #tpu.memory_space<semaphore_mem>> -> memref<!tpu.dma_semaphore, #tpu.memory_space<semaphore_mem>>
    %dma_start3A_87 = arith.constant 0 : i32
    %dma_start3A_88 = arith.constant 0 : i32
    %dma_start3A_89 = tpu.memref_slice %arg8[%dma_start3A_77, %dma_start3A_87, %dma_start3A_88] : memref<6x125x128xf32, #tpu.memory_space<vmem>> -> memref<1x125x128xf32, #tpu.memory_space<vmem>>
    %dma_start3A_90 = tpu.memref_squeeze %dma_start3A_89 : memref<1x125x128xf32, #tpu.memory_space<vmem>> -> memref<125x128xf32, #tpu.memory_space<vmem>>
    %dma_start3A_91 = arith.constant 0 : i32
    %dma_start3A_92 = tpu.memref_slice %arg2[%add3A_76, %dma_start3A_91] : memref<100000x128xf32, #tpu.memory_space<hbm>> -> memref<125x128xf32, #tpu.memory_space<hbm>>
    tpu.enqueue_dma source(%dma_start3A_92 : memref<125x128xf32, #tpu.memory_space<hbm>>) target(%dma_start3A_90 : memref<125x128xf32, #tpu.memory_space<vmem>>) target_semaphore(%dma_start3A_86 : memref<!tpu.dma_semaphore, #tpu.memory_space<semaphore_mem>>)
    %jit3A = arith.constant 8 : i32
    %div3A = arith.divsi %mul3A_2, %jit3A : i32
    %sign3A = arith.constant 0 : i32
    %sign3A_93 = arith.cmpi sgt, %mul3A_2, %sign3A : i32
    %sign3A_94 = arith.extui %sign3A_93 : i1 to i32
    %sign3A_95 = arith.constant 0 : i32
    %sign3A_96 = arith.cmpi slt, %mul3A_2, %sign3A_95 : i32
    %sign3A_97 = arith.extui %sign3A_96 : i1 to i32
    %sign3A_98 = arith.subi %sign3A_94, %sign3A_97 : i32
    %sign3A_99 = arith.constant 0 : i32
    %sign3A_100 = arith.cmpi sgt, %jit3A, %sign3A_99 : i32
    %sign3A_101 = arith.extui %sign3A_100 : i1 to i32
    %sign3A_102 = arith.constant 0 : i32
    %sign3A_103 = arith.cmpi slt, %jit3A, %sign3A_102 : i32
    %sign3A_104 = arith.extui %sign3A_103 : i1 to i32
    %sign3A_105 = arith.subi %sign3A_101, %sign3A_104 : i32
    %ne3A = arith.cmpi ne, %sign3A_98, %sign3A_105 : i32
    %rem3A = arith.remsi %mul3A_2, %jit3A : i32
    %ne3A_106 = arith.constant 0 : i32
    %ne3A_107 = arith.cmpi ne, %rem3A, %ne3A_106 : i32
    %and3A = arith.andi %ne3A, %ne3A_107 : i1
    %sub3A = arith.constant 1 : i32
    %sub3A_108 = arith.subi %div3A, %sub3A : i32
    %select_n3A = arith.select %and3A, %sub3A_108, %div3A : i32
    %mul3A_109 = arith.constant 8 : i32
    %mul3A_110 = arith.muli %select_n3A, %mul3A_109 : i32
    %min3A = arith.constant 96840 : i32
    %min3A_111 = arith.minsi %mul3A_110, %min3A : i32
    %sub3A_112 = arith.subi %mul3A_2, %min3A_111 : i32
    %dma_start3A_113 = tpu.memref_slice %arg3[%min3A_111] : memref<100000xi32, #tpu.memory_space<hbm>> -> memref<3160xi32, #tpu.memory_space<hbm>>
    %dma_start3A_114 = tpu.memref_slice %arg3[%min3A_111] : memref<100000xi32, #tpu.memory_space<hbm>> -> memref<3160xi32, #tpu.memory_space<hbm>>
    tpu.enqueue_dma source(%dma_start3A_114 : memref<3160xi32, #tpu.memory_space<hbm>>) target(%arg6 : memref<3160xi32, #tpu.memory_space<vmem>>) target_semaphore(%arg16 : memref<!tpu.dma_semaphore, #tpu.memory_space<semaphore_mem>>)
    %swap3A = arith.constant 0 : i32
    %swap3A_115 = arith.index_cast %swap3A : i32 to index
    %swap3A_116 = arith.constant 0 : index
    %swap3A_117 = tpu.vector_load %arg10[%swap3A_115, %swap3A_116] {strides = array<i32>} : memref<32x128xf32, #tpu.memory_space<vmem>>, vector<16xf32>,
    tpu.vector_store %arg10[%swap3A_115, %swap3A_116], %broadcast_in_dim3A_3 {strides = array<i32>} : memref<32x128xf32, #tpu.memory_space<vmem>>, vector<16xf32>,
    %swap3A_118 = arith.constant 0 : i32
    %swap3A_119 = arith.index_cast %swap3A_118 : i32 to index
    %swap3A_120 = arith.constant 16 : index
    %swap3A_121 = tpu.vector_load %arg10[%swap3A_119, %swap3A_120] {strides = array<i32>} : memref<32x128xf32, #tpu.memory_space<vmem>>, vector<16xf32>,
    tpu.vector_store %arg10[%swap3A_119, %swap3A_120], %broadcast_in_dim3A_3 {strides = array<i32>} : memref<32x128xf32, #tpu.memory_space<vmem>>, vector<16xf32>,
    %swap3A_122 = arith.constant 0 : i32
    %swap3A_123 = arith.index_cast %swap3A_122 : i32 to index
    %swap3A_124 = arith.constant 32 : index
    %swap3A_125 = tpu.vector_load %arg10[%swap3A_123, %swap3A_124] {strides = array<i32>} : memref<32x128xf32, #tpu.memory_space<vmem>>, vector<16xf32>,
    tpu.vector_store %arg10[%swap3A_123, %swap3A_124], %broadcast_in_dim3A_3 {strides = array<i32>} : memref<32x128xf32, #tpu.memory_space<vmem>>, vector<16xf32>,
    %swap3A_126 = arith.constant 0 : i32
    %swap3A_127 = arith.index_cast %swap3A_126 : i32 to index
    %swap3A_128 = arith.constant 48 : index
    %swap3A_129 = tpu.vector_load %arg10[%swap3A_127, %swap3A_128] {strides = array<i32>} : memref<32x128xf32, #tpu.memory_space<vmem>>, vector<16xf32>,
    tpu.vector_store %arg10[%swap3A_127, %swap3A_128], %broadcast_in_dim3A_3 {strides = array<i32>} : memref<32x128xf32, #tpu.memory_space<vmem>>, vector<16xf32>,
    %swap3A_130 = arith.constant 0 : i32
    %swap3A_131 = arith.index_cast %swap3A_130 : i32 to index
    %swap3A_132 = arith.constant 64 : index
    %swap3A_133 = tpu.vector_load %arg10[%swap3A_131, %swap3A_132] {strides = array<i32>} : memref<32x128xf32, #tpu.memory_space<vmem>>, vector<16xf32>,
    tpu.vector_store %arg10[%swap3A_131, %swap3A_132], %broadcast_in_dim3A_3 {strides = array<i32>} : memref<32x128xf32, #tpu.memory_space<vmem>>, vector<16xf32>,
    %swap3A_134 = arith.constant 0 : i32
    %swap3A_135 = arith.index_cast %swap3A_134 : i32 to index
    %swap3A_136 = arith.constant 80 : index
    %swap3A_137 = tpu.vector_load %arg10[%swap3A_135, %swap3A_136] {strides = array<i32>} : memref<32x128xf32, #tpu.memory_space<vmem>>, vector<16xf32>,
    tpu.vector_store %arg10[%swap3A_135, %swap3A_136], %broadcast_in_dim3A_3 {strides = array<i32>} : memref<32x128xf32, #tpu.memory_space<vmem>>, vector<16xf32>,
    %swap3A_138 = arith.constant 0 : i32
    %swap3A_139 = arith.index_cast %swap3A_138 : i32 to index
    %swap3A_140 = arith.constant 96 : index
    %swap3A_141 = tpu.vector_load %arg10[%swap3A_139, %swap3A_140] {strides = array<i32>} : memref<32x128xf32, #tpu.memory_space<vmem>>, vector<16xf32>,
    tpu.vector_store %arg10[%swap3A_139, %swap3A_140], %broadcast_in_dim3A_3 {strides = array<i32>} : memref<32x128xf32, #tpu.memory_space<vmem>>, vector<16xf32>,
    %swap3A_142 = arith.constant 0 : i32
    %swap3A_143 = arith.index_cast %swap3A_142 : i32 to index
    %swap3A_144 = arith.constant 112 : index
    %swap3A_145 = tpu.vector_load %arg10[%swap3A_143, %swap3A_144] {strides = array<i32>} : memref<32x128xf32, #tpu.memory_space<vmem>>, vector<16xf32>,
    tpu.vector_store %arg10[%swap3A_143, %swap3A_144], %broadcast_in_dim3A_3 {strides = array<i32>} : memref<32x128xf32, #tpu.memory_space<vmem>>, vector<16xf32>,
    %swap3A_146 = arith.constant 0 : i32
    %swap3A_147 = arith.index_cast %swap3A_146 : i32 to index
    %swap3A_148 = arith.constant 0 : index
    %swap3A_149 = tpu.vector_load %arg11[%swap3A_147, %swap3A_148] {strides = array<i32>} : memref<32x16xf32, #tpu.memory_space<vmem>>, vector<16xf32>,
    tpu.vector_store %arg11[%swap3A_147, %swap3A_148], %broadcast_in_dim3A_3 {strides = array<i32>} : memref<32x16xf32, #tpu.memory_space<vmem>>, vector<16xf32>,
    %swap3A_150 = arith.constant 1 : i32
    %swap3A_151 = arith.index_cast %swap3A_150 : i32 to index
    %swap3A_152 = arith.constant 0 : index
    %swap3A_153 = tpu.vector_load %arg10[%swap3A_151, %swap3A_152] {strides = array<i32>} : memref<32x128xf32, #tpu.memory_space<vmem>>, vector<16xf32>,
    tpu.vector_store %arg10[%swap3A_151, %swap3A_152], %broadcast_in_dim3A_3 {strides = array<i32>} : memref<32x128xf32, #tpu.memory_space<vmem>>, vector<16xf32>,
    %swap3A_154 = arith.constant 1 : i32
    %swap3A_155 = arith.index_cast %swap3A_154 : i32 to index
    %swap3A_156 = arith.constant 16 : index
    %swap3A_157 = tpu.vector_load %arg10[%swap3A_155, %swap3A_156] {strides = array<i32>} : memref<32x128xf32, #tpu.memory_space<vmem>>, vector<16xf32>,
    tpu.vector_store %arg10[%swap3A_155, %swap3A_156], %broadcast_in_dim3A_3 {strides = array<i32>} : memref<32x128xf32, #tpu.memory_space<vmem>>, vector<16xf32>,
    %swap3A_158 = arith.constant 1 : i32
    %swap3A_159 = arith.index_cast %swap3A_158 : i32 to index
    %swap3A_160 = arith.constant 32 : index
    %swap3A_161 = tpu.vector_load %arg10[%swap3A_159, %swap3A_160] {strides = array<i32>} : memref<32x128xf32, #tpu.memory_space<vmem>>, vector<16xf32>,
    tpu.vector_store %arg10[%swap3A_159, %swap3A_160], %broadcast_in_dim3A_3 {strides = array<i32>} : memref<32x128xf32, #tpu.memory_space<vmem>>, vector<16xf32>,
    %swap3A_162 = arith.constant 1 : i32
    %swap3A_163 = arith.index_cast %swap3A_162 : i32 to index
    %swap3A_164 = arith.constant 48 : index
    %swap3A_165 = tpu.vector_load %arg10[%swap3A_163, %swap3A_164] {strides = array<i32>} : memref<32x128xf32, #tpu.memory_space<vmem>>, vector<16xf32>,
    tpu.vector_store %arg10[%swap3A_163, %swap3A_164], %broadcast_in_dim3A_3 {strides = array<i32>} : memref<32x128xf32, #tpu.memory_space<vmem>>, vector<16xf32>,
    %swap3A_166 = arith.constant 1 : i32
    %swap3A_167 = arith.index_cast %swap3A_166 : i32 to index
    %swap3A_168 = arith.constant 64 : index
    %swap3A_169 = tpu.vector_load %arg10[%swap3A_167, %swap3A_168] {strides = array<i32>} : memref<32x128xf32, #tpu.memory_space<vmem>>, vector<16xf32>,
    tpu.vector_store %arg10[%swap3A_167, %swap3A_168], %broadcast_in_dim3A_3 {strides = array<i32>} : memref<32x128xf32, #tpu.memory_space<vmem>>, vector<16xf32>,
    %swap3A_170 = arith.constant 1 : i32
    %swap3A_171 = arith.index_cast %swap3A_170 : i32 to index
    %swap3A_172 = arith.constant 80 : index
    %swap3A_173 = tpu.vector_load %arg10[%swap3A_171, %swap3A_172] {strides = array<i32>} : memref<32x128xf32, #tpu.memory_space<vmem>>, vector<16xf32>,
    tpu.vector_store %arg10[%swap3A_171, %swap3A_172], %broadcast_in_dim3A_3 {strides = array<i32>} : memref<32x128xf32, #tpu.memory_space<vmem>>, vector<16xf32>,
    %swap3A_174 = arith.constant 1 : i32
    %swap3A_175 = arith.index_cast %swap3A_174 : i32 to index
    %swap3A_176 = arith.constant 96 : index
    %swap3A_177 = tpu.vector_load %arg10[%swap3A_175, %swap3A_176] {strides = array<i32>} : memref<32x128xf32, #tpu.memory_space<vmem>>, vector<16xf32>,
    tpu.vector_store %arg10[%swap3A_175, %swap3A_176], %broadcast_in_dim3A_3 {strides = array<i32>} : memref<32x128xf32, #tpu.memory_space<vmem>>, vector<16xf32>,
    %swap3A_178 = arith.constant 1 : i32
    %swap3A_179 = arith.index_cast %swap3A_178 : i32 to index
    %swap3A_180 = arith.constant 112 : index
    %swap3A_181 = tpu.vector_load %arg10[%swap3A_179, %swap3A_180] {strides = array<i32>} : memref<32x128xf32, #tpu.memory_space<vmem>>, vector<16xf32>,
    tpu.vector_store %arg10[%swap3A_179, %swap3A_180], %broadcast_in_dim3A_3 {strides = array<i32>} : memref<32x128xf32, #tpu.memory_space<vmem>>, vector<16xf32>,
    %swap3A_182 = arith.constant 1 : i32
    %swap3A_183 = arith.index_cast %swap3A_182 : i32 to index
    %swap3A_184 = arith.constant 0 : index
    %swap3A_185 = tpu.vector_load %arg11[%swap3A_183, %swap3A_184] {strides = array<i32>} : memref<32x16xf32, #tpu.memory_space<vmem>>, vector<16xf32>,
    tpu.vector_store %arg11[%swap3A_183, %swap3A_184], %broadcast_in_dim3A_3 {strides = array<i32>} : memref<32x16xf32, #tpu.memory_space<vmem>>, vector<16xf32>,
    %swap3A_186 = arith.constant 2 : i32
    %swap3A_187 = arith.index_cast %swap3A_186 : i32 to index
    %swap3A_188 = arith.constant 0 : index
    %swap3A_189 = tpu.vector_load %arg10[%swap3A_187, %swap3A_188] {strides = array<i32>} : memref<32x128xf32, #tpu.memory_space<vmem>>, vector<16xf32>,
    tpu.vector_store %arg10[%swap3A_187, %swap3A_188], %broadcast_in_dim3A_3 {strides = array<i32>} : memref<32x128xf32, #tpu.memory_space<vmem>>, vector<16xf32>,
    %swap3A_190 = arith.constant 2 : i32
    %swap3A_191 = arith.index_cast %swap3A_190 : i32 to index
    %swap3A_192 = arith.constant 16 : index
    %swap3A_193 = tpu.vector_load %arg10[%swap3A_191, %swap3A_192] {strides = array<i32>} : memref<32x128xf32, #tpu.memory_space<vmem>>, vector<16xf32>,
    tpu.vector_store %arg10[%swap3A_191, %swap3A_192], %broadcast_in_dim3A_3 {strides = array<i32>} : memref<32x128xf32, #tpu.memory_space<vmem>>, vector<16xf32>,
    %swap3A_194 = arith.constant 2 : i32
    %swap3A_195 = arith.index_cast %swap3A_194 : i32 to index
    %swap3A_196 = arith.constant 32 : index
    %swap3A_197 = tpu.vector_load %arg10[%swap3A_195, %swap3A_196] {strides = array<i32>} : memref<32x128xf32, #tpu.memory_space<vmem>>, vector<16xf32>,
    tpu.vector_store %arg10[%swap3A_195, %swap3A_196], %broadcast_in_dim3A_3 {strides = array<i32>} : memref<32x128xf32, #tpu.memory_space<vmem>>, vector<16xf32>,
    %swap3A_198 = arith.constant 2 : i32
    %swap3A_199 = arith.index_cast %swap3A_198 : i32 to index
    %swap3A_200 = arith.constant 48 : index
    %swap3A_201 = tpu.vector_load %arg10[%swap3A_199, %swap3A_200] {strides = array<i32>} : memref<32x128xf32, #tpu.memory_space<vmem>>, vector<16xf32>,
    tpu.vector_store %arg10[%swap3A_199, %swap3A_200], %broadcast_in_dim3A_3 {strides = array<i32>} : memref<32x128xf32, #tpu.memory_space<vmem>>, vector<16xf32>,
    %swap3A_202 = arith.constant 2 : i32
    %swap3A_203 = arith.index_cast %swap3A_202 : i32 to index
    %swap3A_204 = arith.constant 64 : index
    %swap3A_205 = tpu.vector_load %arg10[%swap3A_203, %swap3A_204] {strides = array<i32>} : memref<32x128xf32, #tpu.memory_space<vmem>>, vector<16xf32>,
    tpu.vector_store %arg10[%swap3A_203, %swap3A_204], %broadcast_in_dim3A_3 {strides = array<i32>} : memref<32x128xf32, #tpu.memory_space<vmem>>, vector<16xf32>,
    %swap3A_206 = arith.constant 2 : i32
    %swap3A_207 = arith.index_cast %swap3A_206 : i32 to index
    %swap3A_208 = arith.constant 80 : index
    %swap3A_209 = tpu.vector_load %arg10[%swap3A_207, %swap3A_208] {strides = array<i32>} : memref<32x128xf32, #tpu.memory_space<vmem>>, vector<16xf32>,
    tpu.vector_store %arg10[%swap3A_207, %swap3A_208], %broadcast_in_dim3A_3 {strides = array<i32>} : memref<32x128xf32, #tpu.memory_space<vmem>>, vector<16xf32>,
    %swap3A_210 = arith.constant 2 : i32
    %swap3A_211 = arith.index_cast %swap3A_210 : i32 to index
    %swap3A_212 = arith.constant 96 : index
    %swap3A_213 = tpu.vector_load %arg10[%swap3A_211, %swap3A_212] {strides = array<i32>} : memref<32x128xf32, #tpu.memory_space<vmem>>, vector<16xf32>,
    tpu.vector_store %arg10[%swap3A_211, %swap3A_212], %broadcast_in_dim3A_3 {strides = array<i32>} : memref<32x128xf32, #tpu.memory_space<vmem>>, vector<16xf32>,
    %swap3A_214 = arith.constant 2 : i32
    %swap3A_215 = arith.index_cast %swap3A_214 : i32 to index
    %swap3A_216 = arith.constant 112 : index
    %swap3A_217 = tpu.vector_load %arg10[%swap3A_215, %swap3A_216] {strides = array<i32>} : memref<32x128xf32, #tpu.memory_space<vmem>>, vector<16xf32>,
    tpu.vector_store %arg10[%swap3A_215, %swap3A_216], %broadcast_in_dim3A_3 {strides = array<i32>} : memref<32x128xf32, #tpu.memory_space<vmem>>, vector<16xf32>,
    %swap3A_218 = arith.constant 2 : i32
    %swap3A_219 = arith.index_cast %swap3A_218 : i32 to index
    %swap3A_220 = arith.constant 0 : index
    %swap3A_221 = tpu.vector_load %arg11[%swap3A_219, %swap3A_220] {strides = array<i32>} : memref<32x16xf32, #tpu.memory_space<vmem>>, vector<16xf32>,
    tpu.vector_store %arg11[%swap3A_219, %swap3A_220], %broadcast_in_dim3A_3 {strides = array<i32>} : memref<32x16xf32, #tpu.memory_space<vmem>>, vector<16xf32>,
    %swap3A_222 = arith.constant 3 : i32
    %swap3A_223 = arith.index_cast %swap3A_222 : i32 to index
    %swap3A_224 = arith.constant 0 : index
    %swap3A_225 = tpu.vector_load %arg10[%swap3A_223, %swap3A_224] {strides = array<i32>} : memref<32x128xf32, #tpu.memory_space<vmem>>, vector<16xf32>,
    tpu.vector_store %arg10[%swap3A_223, %swap3A_224], %broadcast_in_dim3A_3 {strides = array<i32>} : memref<32x128xf32, #tpu.memory_space<vmem>>, vector<16xf32>,
    %swap3A_226 = arith.constant 3 : i32
    %swap3A_227 = arith.index_cast %swap3A_226 : i32 to index
    %swap3A_228 = arith.constant 16 : index
    %swap3A_229 = tpu.vector_load %arg10[%swap3A_227, %swap3A_228] {strides = array<i32>} : memref<32x128xf32, #tpu.memory_space<vmem>>, vector<16xf32>,
    tpu.vector_store %arg10[%swap3A_227, %swap3A_228], %broadcast_in_dim3A_3 {strides = array<i32>} : memref<32x128xf32, #tpu.memory_space<vmem>>, vector<16xf32>,
    %swap3A_230 = arith.constant 3 : i32
    %swap3A_231 = arith.index_cast %swap3A_230 : i32 to index
    %swap3A_232 = arith.constant 32 : index
    %swap3A_233 = tpu.vector_load %arg10[%swap3A_231, %swap3A_232] {strides = array<i32>} : memref<32x128xf32, #tpu.memory_space<vmem>>, vector<16xf32>,
    tpu.vector_store %arg10[%swap3A_231, %swap3A_232], %broadcast_in_dim3A_3 {strides = array<i32>} : memref<32x128xf32, #tpu.memory_space<vmem>>, vector<16xf32>,
    %swap3A_234 = arith.constant 3 : i32
    %swap3A_235 = arith.index_cast %swap3A_234 : i32 to index
    %swap3A_236 = arith.constant 48 : index
    %swap3A_237 = tpu.vector_load %arg10[%swap3A_235, %swap3A_236] {strides = array<i32>} : memref<32x128xf32, #tpu.memory_space<vmem>>, vector<16xf32>,
    tpu.vector_store %arg10[%swap3A_235, %swap3A_236], %broadcast_in_dim3A_3 {strides = array<i32>} : memref<32x128xf32, #tpu.memory_space<vmem>>, vector<16xf32>,
    %swap3A_238 = arith.constant 3 : i32
    %swap3A_239 = arith.index_cast %swap3A_238 : i32 to index
    %swap3A_240 = arith.constant 64 : index
    %swap3A_241 = tpu.vector_load %arg10[%swap3A_239, %swap3A_240] {strides = array<i32>} : memref<32x128xf32, #tpu.memory_space<vmem>>, vector<16xf32>,
    tpu.vector_store %arg10[%swap3A_239, %swap3A_240], %broadcast_in_dim3A_3 {strides = array<i32>} : memref<32x128xf32, #tpu.memory_space<vmem>>, vector<16xf32>,
    %swap3A_242 = arith.constant 3 : i32
    %swap3A_243 = arith.index_cast %swap3A_242 : i32 to index
    %swap3A_244 = arith.constant 80 : index
    %swap3A_245 = tpu.vector_load %arg10[%swap3A_243, %swap3A_244] {strides = array<i32>} : memref<32x128xf32, #tpu.memory_space<vmem>>, vector<16xf32>,
    tpu.vector_store %arg10[%swap3A_243, %swap3A_244], %broadcast_in_dim3A_3 {strides = array<i32>} : memref<32x128xf32, #tpu.memory_space<vmem>>, vector<16xf32>,
    %swap3A_246 = arith.constant 3 : i32
    %swap3A_247 = arith.index_cast %swap3A_246 : i32 to index
    %swap3A_248 = arith.constant 96 : index
    %swap3A_249 = tpu.vector_load %arg10[%swap3A_247, %swap3A_248] {strides = array<i32>} : memref<32x128xf32, #tpu.memory_space<vmem>>, vector<16xf32>,
    tpu.vector_store %arg10[%swap3A_247, %swap3A_248], %broadcast_in_dim3A_3 {strides = array<i32>} : memref<32x128xf32, #tpu.memory_space<vmem>>, vector<16xf32>,
    %swap3A_250 = arith.constant 3 : i32
    %swap3A_251 = arith.index_cast %swap3A_250 : i32 to index
    %swap3A_252 = arith.constant 112 : index
    %swap3A_253 = tpu.vector_load %arg10[%swap3A_251, %swap3A_252] {strides = array<i32>} : memref<32x128xf32, #tpu.memory_space<vmem>>, vector<16xf32>,
    tpu.vector_store %arg10[%swap3A_251, %swap3A_252], %broadcast_in_dim3A_3 {strides = array<i32>} : memref<32x128xf32, #tpu.memory_space<vmem>>, vector<16xf32>,
    %swap3A_254 = arith.constant 3 : i32
    %swap3A_255 = arith.index_cast %swap3A_254 : i32 to index
    %swap3A_256 = arith.constant 0 : index
    %swap3A_257 = tpu.vector_load %arg11[%swap3A_255, %swap3A_256] {strides = array<i32>} : memref<32x16xf32, #tpu.memory_space<vmem>>, vector<16xf32>,
    tpu.vector_store %arg11[%swap3A_255, %swap3A_256], %broadcast_in_dim3A_3 {strides = array<i32>} : memref<32x16xf32, #tpu.memory_space<vmem>>, vector<16xf32>,
    %mul3A_258 = arith.constant 4 : i32
    %mul3A_259 = arith.muli %arg1, %mul3A_258 : i32
    "tpu.region"() ({
      %run_scoped3A = tpu.sem_alloc : memref<!tpu.dma_semaphore, #tpu.memory_space<semaphore_mem>>
      %dma_start3A_420 = arith.constant 0 : i32
      %dma_start3A_421 = arith.constant 0 : i32
      %dma_start3A_422 = tpu.memref_slice %arg10[%dma_start3A_420, %dma_start3A_421] : memref<32x128xf32, #tpu.memory_space<vmem>> -> memref<4x128xf32, #tpu.memory_space<vmem>>
      %dma_start3A_423 = arith.constant 0 : i32
      %dma_start3A_424 = tpu.memref_slice %arg13[%mul3A_259, %dma_start3A_423] : memref<65x128xf32, #tpu.memory_space<vmem_shared>> -> memref<4x128xf32, #tpu.memory_space<vmem_shared>>
      %dma_start3A_425 = arith.constant 0 : i32
      %dma_start3A_426 = tpu.memref_slice %arg13[%mul3A_259, %dma_start3A_425] : memref<65x128xf32, #tpu.memory_space<vmem_shared>> -> memref<4x128xf32, #tpu.memory_space<vmem_shared>>
      %dma_start3A_427 = arith.constant 0 : i32
      %dma_start3A_428 = arith.constant 0 : i32
      %dma_start3A_429 = tpu.memref_slice %arg10[%dma_start3A_427, %dma_start3A_428] : memref<32x128xf32, #tpu.memory_space<vmem>> -> memref<4x128xf32, #tpu.memory_space<vmem>>
      tpu.enqueue_dma source(%dma_start3A_429 : memref<4x128xf32, #tpu.memory_space<vmem>>) target(%dma_start3A_426 : memref<4x128xf32, #tpu.memory_space<vmem_shared>>) target_semaphore(%run_scoped3A : memref<!tpu.dma_semaphore, #tpu.memory_space<semaphore_mem>>)
      %dma_wait3A_430 = arith.constant 0 : i32
      %dma_wait3A_431 = arith.constant 0 : i32
      %dma_wait3A_432 = tpu.memref_slice %arg10[%dma_wait3A_430, %dma_wait3A_431] : memref<32x128xf32, #tpu.memory_space<vmem>> -> memref<4x128xf32, #tpu.memory_space<vmem>>
      %dma_wait3A_433 = arith.constant 0 : i32
      %dma_wait3A_434 = tpu.memref_slice %arg13[%mul3A_259, %dma_wait3A_433] : memref<65x128xf32, #tpu.memory_space<vmem_shared>> -> memref<4x128xf32, #tpu.memory_space<vmem_shared>>
      %dma_wait3A_435 = arith.constant 0 : i32
      %dma_wait3A_436 = tpu.memref_slice %arg13[%mul3A_259, %dma_wait3A_435] : memref<65x128xf32, #tpu.memory_space<vmem_shared>> -> memref<4x128xf32, #tpu.memory_space<vmem_shared>>
      %dma_wait3A_437 = arith.constant 0 : i32
      %dma_wait3A_438 = arith.constant 0 : i32
      %dma_wait3A_439 = tpu.memref_slice %arg10[%dma_wait3A_437, %dma_wait3A_438] : memref<32x128xf32, #tpu.memory_space<vmem>> -> memref<4x128xf32, #tpu.memory_space<vmem>>
      tpu.wait_dma2 semaphore(%run_scoped3A : memref<!tpu.dma_semaphore, #tpu.memory_space<semaphore_mem>>) src(%dma_wait3A_439 : memref<4x128xf32, #tpu.memory_space<vmem>>) dst(%dma_wait3A_436 : memref<4x128xf32, #tpu.memory_space<vmem_shared>>)
      tpu.yield
    }) : () -> ()
    %eq3A = arith.constant 0 : i32
    %eq3A_260 = arith.cmpi eq, %arg1, %eq3A : i32
    %convert_element_type3A = arith.extui %eq3A_260 : i1 to i32
    %cond3A = arith.constant 0 : i32
    %cond3A_261 = arith.cmpi ne, %convert_element_type3A, %cond3A : i32
    scf.if %cond3A_261 {
      "tpu.region"() ({
        %run_scoped3A = tpu.sem_alloc : memref<!tpu.dma_semaphore, #tpu.memory_space<semaphore_mem>>
        %dma_start3A_426 = arith.constant 0 : i32
        %dma_start3A_427 = arith.constant 0 : i32
        %dma_start3A_428 = tpu.memref_slice %arg10[%dma_start3A_426, %dma_start3A_427] : memref<32x128xf32, #tpu.memory_space<vmem>> -> memref<1x128xf32, #tpu.memory_space<vmem>>
        %dma_start3A_429 = arith.constant 64 : i32
        %dma_start3A_430 = arith.constant 0 : i32
        %dma_start3A_431 = tpu.memref_slice %arg13[%dma_start3A_429, %dma_start3A_430] : memref<65x128xf32, #tpu.memory_space<vmem_shared>> -> memref<1x128xf32, #tpu.memory_space<vmem_shared>>
        %dma_start3A_432 = arith.constant 64 : i32
        %dma_start3A_433 = arith.constant 0 : i32
        %dma_start3A_434 = tpu.memref_slice %arg13[%dma_start3A_432, %dma_start3A_433] : memref<65x128xf32, #tpu.memory_space<vmem_shared>> -> memref<1x128xf32, #tpu.memory_space<vmem_shared>>
        %dma_start3A_435 = arith.constant 0 : i32
        %dma_start3A_436 = arith.constant 0 : i32
        %dma_start3A_437 = tpu.memref_slice %arg10[%dma_start3A_435, %dma_start3A_436] : memref<32x128xf32, #tpu.memory_space<vmem>> -> memref<1x128xf32, #tpu.memory_space<vmem>>
        tpu.enqueue_dma source(%dma_start3A_437 : memref<1x128xf32, #tpu.memory_space<vmem>>) target(%dma_start3A_434 : memref<1x128xf32, #tpu.memory_space<vmem_shared>>) target_semaphore(%run_scoped3A : memref<!tpu.dma_semaphore, #tpu.memory_space<semaphore_mem>>)
        %dma_wait3A_438 = arith.constant 0 : i32
        %dma_wait3A_439 = arith.constant 0 : i32
        %dma_wait3A_440 = tpu.memref_slice %arg10[%dma_wait3A_438, %dma_wait3A_439] : memref<32x128xf32, #tpu.memory_space<vmem>> -> memref<1x128xf32, #tpu.memory_space<vmem>>
        %dma_wait3A_441 = arith.constant 64 : i32
        %dma_wait3A_442 = arith.constant 0 : i32
        %dma_wait3A_443 = tpu.memref_slice %arg13[%dma_wait3A_441, %dma_wait3A_442] : memref<65x128xf32, #tpu.memory_space<vmem_shared>> -> memref<1x128xf32, #tpu.memory_space<vmem_shared>>
        %dma_wait3A_444 = arith.constant 64 : i32
        %dma_wait3A_445 = arith.constant 0 : i32
        %dma_wait3A_446 = tpu.memref_slice %arg13[%dma_wait3A_444, %dma_wait3A_445] : memref<65x128xf32, #tpu.memory_space<vmem_shared>> -> memref<1x128xf32, #tpu.memory_space<vmem_shared>>
        %dma_wait3A_447 = arith.constant 0 : i32
        %dma_wait3A_448 = arith.constant 0 : i32
        %dma_wait3A_449 = tpu.memref_slice %arg10[%dma_wait3A_447, %dma_wait3A_448] : memref<32x128xf32, #tpu.memory_space<vmem>> -> memref<1x128xf32, #tpu.memory_space<vmem>>
        tpu.wait_dma2 semaphore(%run_scoped3A : memref<!tpu.dma_semaphore, #tpu.memory_space<semaphore_mem>>) src(%dma_wait3A_449 : memref<1x128xf32, #tpu.memory_space<vmem>>) dst(%dma_wait3A_446 : memref<1x128xf32, #tpu.memory_space<vmem_shared>>)
        tpu.yield
      }) : () -> ()
      %scan3A_420 = arith.constant 0 : i32
      %scan3A_421 = arith.constant 0 : i32
      %scan3A_422 = arith.constant 65 : i32
      %scan3A_423 = arith.addi %scan3A_421, %scan3A_422 : i32
      %scan3A_424 = arith.constant 1 : i32
      scf.for %scan3A_426 = %scan3A_421 to %scan3A_423 step %scan3A_424  : i32 {
        %swap3A_427 = arith.index_cast %scan3A_426 : i32 to index
        %swap3A_428 = arith.constant 0 : index
        %swap3A_429 = tpu.vector_load %arg9[%swap3A_427, %swap3A_428] {strides = array<i32>} : memref<125x16xf32, #tpu.memory_space<vmem>>, vector<16xf32>,
        tpu.vector_store %arg9[%swap3A_427, %swap3A_428], %broadcast_in_dim3A_3 {strides = array<i32>} : memref<125x16xf32, #tpu.memory_space<vmem>>, vector<16xf32>,
      }
      %scan3A_425 = arith.constant 65 : i32
      "tpu.region"() ({
        %run_scoped3A = tpu.sem_alloc : memref<!tpu.dma_semaphore, #tpu.memory_space<semaphore_mem>>
        %dma_start3A_426 = arith.constant 0 : i32
        %dma_start3A_427 = arith.constant 0 : i32
        %dma_start3A_428 = tpu.memref_slice %arg9[%dma_start3A_426, %dma_start3A_427] : memref<125x16xf32, #tpu.memory_space<vmem>> -> memref<65x16xf32, #tpu.memory_space<vmem>>
        %dma_start3A_429 = arith.constant 0 : i32
        %dma_start3A_430 = arith.constant 0 : i32
        %dma_start3A_431 = tpu.memref_slice %arg9[%dma_start3A_429, %dma_start3A_430] : memref<125x16xf32, #tpu.memory_space<vmem>> -> memref<65x16xf32, #tpu.memory_space<vmem>>
        tpu.enqueue_dma source(%dma_start3A_431 : memref<65x16xf32, #tpu.memory_space<vmem>>) target(%arg14 : memref<65x16xf32, #tpu.memory_space<vmem_shared>>) target_semaphore(%run_scoped3A : memref<!tpu.dma_semaphore, #tpu.memory_space<semaphore_mem>>)
        %dma_wait3A_432 = arith.constant 0 : i32
        %dma_wait3A_433 = arith.constant 0 : i32
        %dma_wait3A_434 = tpu.memref_slice %arg9[%dma_wait3A_432, %dma_wait3A_433] : memref<125x16xf32, #tpu.memory_space<vmem>> -> memref<65x16xf32, #tpu.memory_space<vmem>>
        %dma_wait3A_435 = arith.constant 0 : i32
        %dma_wait3A_436 = arith.constant 0 : i32
        %dma_wait3A_437 = tpu.memref_slice %arg9[%dma_wait3A_435, %dma_wait3A_436] : memref<125x16xf32, #tpu.memory_space<vmem>> -> memref<65x16xf32, #tpu.memory_space<vmem>>
        tpu.wait_dma2 semaphore(%run_scoped3A : memref<!tpu.dma_semaphore, #tpu.memory_space<semaphore_mem>>) src(%dma_wait3A_437 : memref<65x16xf32, #tpu.memory_space<vmem>>) dst(%arg14 : memref<65x16xf32, #tpu.memory_space<vmem_shared>>)
        tpu.yield
      }) : () -> ()
    } else {
    }
    %barrier3A = arith.constant 0 : index
    tpu.barrier barrier_id(%barrier3A)
    %broadcast_in_dim3A_262 = arith.constant 1.000000e+00 : f32
    %broadcast_in_dim3A_263 = vector.broadcast %broadcast_in_dim3A_262 : f32 to vector<16xf32>
    %scan3A = arith.constant 0 : i32
    %scan3A_264 = arith.constant 0 : i32
    %scan3A_265 = arith.constant 125 : i32
    %scan3A_266 = arith.addi %scan3A_264, %scan3A_265 : i32
    %scan3A_267 = arith.constant 1 : i32
    scf.for %scan3A_420 = %scan3A_264 to %scan3A_266 step %scan3A_267  : i32 {
      %swap3A_421 = arith.index_cast %scan3A_420 : i32 to index
      %swap3A_422 = arith.constant 0 : index
      %swap3A_423 = tpu.vector_load %arg9[%swap3A_421, %swap3A_422] {strides = array<i32>} : memref<125x16xf32, #tpu.memory_space<vmem>>, vector<16xf32>,
      tpu.vector_store %arg9[%swap3A_421, %swap3A_422], %broadcast_in_dim3A_263 {strides = array<i32>} : memref<125x16xf32, #tpu.memory_space<vmem>>, vector<16xf32>,
    }
    %scan3A_268 = arith.constant 125 : i32
    %broadcast_in_dim3A_269 = arith.constant 1.250000e+02 : f32
    %broadcast_in_dim3A_270 = vector.broadcast %broadcast_in_dim3A_269 : f32 to vector<16xf32>
    %swap3A_271 = arith.constant 0 : i32
    %swap3A_272 = arith.index_cast %swap3A_271 : i32 to index
    %swap3A_273 = arith.constant 0 : index
    %swap3A_274 = tpu.vector_load %arg11[%swap3A_272, %swap3A_273] {strides = array<i32>} : memref<32x16xf32, #tpu.memory_space<vmem>>, vector<16xf32>,
    tpu.vector_store %arg11[%swap3A_272, %swap3A_273], %broadcast_in_dim3A_270 {strides = array<i32>} : memref<32x16xf32, #tpu.memory_space<vmem>>, vector<16xf32>,
    %swap3A_275 = arith.constant 1 : i32
    %swap3A_276 = arith.index_cast %swap3A_275 : i32 to index
    %swap3A_277 = arith.constant 0 : index
    %swap3A_278 = tpu.vector_load %arg11[%swap3A_276, %swap3A_277] {strides = array<i32>} : memref<32x16xf32, #tpu.memory_space<vmem>>, vector<16xf32>,
    tpu.vector_store %arg11[%swap3A_276, %swap3A_277], %broadcast_in_dim3A_270 {strides = array<i32>} : memref<32x16xf32, #tpu.memory_space<vmem>>, vector<16xf32>,
    %swap3A_279 = arith.constant 2 : i32
    %swap3A_280 = arith.index_cast %swap3A_279 : i32 to index
    %swap3A_281 = arith.constant 0 : index
    %swap3A_282 = tpu.vector_load %arg11[%swap3A_280, %swap3A_281] {strides = array<i32>} : memref<32x16xf32, #tpu.memory_space<vmem>>, vector<16xf32>,
    tpu.vector_store %arg11[%swap3A_280, %swap3A_281], %broadcast_in_dim3A_270 {strides = array<i32>} : memref<32x16xf32, #tpu.memory_space<vmem>>, vector<16xf32>,
    %swap3A_283 = arith.constant 3 : i32
    %swap3A_284 = arith.index_cast %swap3A_283 : i32 to index
    %swap3A_285 = arith.constant 0 : index
    %swap3A_286 = tpu.vector_load %arg11[%swap3A_284, %swap3A_285] {strides = array<i32>} : memref<32x16xf32, #tpu.memory_space<vmem>>, vector<16xf32>,
    tpu.vector_store %arg11[%swap3A_284, %swap3A_285], %broadcast_in_dim3A_270 {strides = array<i32>} : memref<32x16xf32, #tpu.memory_space<vmem>>, vector<16xf32>,
    %swap3A_287 = arith.constant 4 : i32
    %swap3A_288 = arith.index_cast %swap3A_287 : i32 to index
    %swap3A_289 = arith.constant 0 : index
    %swap3A_290 = tpu.vector_load %arg11[%swap3A_288, %swap3A_289] {strides = array<i32>} : memref<32x16xf32, #tpu.memory_space<vmem>>, vector<16xf32>,
    tpu.vector_store %arg11[%swap3A_288, %swap3A_289], %broadcast_in_dim3A_270 {strides = array<i32>} : memref<32x16xf32, #tpu.memory_space<vmem>>, vector<16xf32>,
    %swap3A_291 = arith.constant 5 : i32
    %swap3A_292 = arith.index_cast %swap3A_291 : i32 to index
    %swap3A_293 = arith.constant 0 : index
    %swap3A_294 = tpu.vector_load %arg11[%swap3A_292, %swap3A_293] {strides = array<i32>} : memref<32x16xf32, #tpu.memory_space<vmem>>, vector<16xf32>,
    tpu.vector_store %arg11[%swap3A_292, %swap3A_293], %broadcast_in_dim3A_270 {strides = array<i32>} : memref<32x16xf32, #tpu.memory_space<vmem>>, vector<16xf32>,
    %swap3A_295 = arith.constant 6 : i32
    %swap3A_296 = arith.index_cast %swap3A_295 : i32 to index
    %swap3A_297 = arith.constant 0 : index
    %swap3A_298 = tpu.vector_load %arg11[%swap3A_296, %swap3A_297] {strides = array<i32>} : memref<32x16xf32, #tpu.memory_space<vmem>>, vector<16xf32>,
    tpu.vector_store %arg11[%swap3A_296, %swap3A_297], %broadcast_in_dim3A_270 {strides = array<i32>} : memref<32x16xf32, #tpu.memory_space<vmem>>, vector<16xf32>,
    %swap3A_299 = arith.constant 7 : i32
    %swap3A_300 = arith.index_cast %swap3A_299 : i32 to index
    %swap3A_301 = arith.constant 0 : index
    %swap3A_302 = tpu.vector_load %arg11[%swap3A_300, %swap3A_301] {strides = array<i32>} : memref<32x16xf32, #tpu.memory_space<vmem>>, vector<16xf32>,
    tpu.vector_store %arg11[%swap3A_300, %swap3A_301], %broadcast_in_dim3A_270 {strides = array<i32>} : memref<32x16xf32, #tpu.memory_space<vmem>>, vector<16xf32>,
    %swap3A_303 = arith.constant 8 : i32
    %swap3A_304 = arith.index_cast %swap3A_303 : i32 to index
    %swap3A_305 = arith.constant 0 : index
    %swap3A_306 = tpu.vector_load %arg11[%swap3A_304, %swap3A_305] {strides = array<i32>} : memref<32x16xf32, #tpu.memory_space<vmem>>, vector<16xf32>,
    tpu.vector_store %arg11[%swap3A_304, %swap3A_305], %broadcast_in_dim3A_270 {strides = array<i32>} : memref<32x16xf32, #tpu.memory_space<vmem>>, vector<16xf32>,
    %swap3A_307 = arith.constant 9 : i32
    %swap3A_308 = arith.index_cast %swap3A_307 : i32 to index
    %swap3A_309 = arith.constant 0 : index
    %swap3A_310 = tpu.vector_load %arg11[%swap3A_308, %swap3A_309] {strides = array<i32>} : memref<32x16xf32, #tpu.memory_space<vmem>>, vector<16xf32>,
    tpu.vector_store %arg11[%swap3A_308, %swap3A_309], %broadcast_in_dim3A_270 {strides = array<i32>} : memref<32x16xf32, #tpu.memory_space<vmem>>, vector<16xf32>,
    %swap3A_311 = arith.constant 10 : i32
    %swap3A_312 = arith.index_cast %swap3A_311 : i32 to index
    %swap3A_313 = arith.constant 0 : index
    %swap3A_314 = tpu.vector_load %arg11[%swap3A_312, %swap3A_313] {strides = array<i32>} : memref<32x16xf32, #tpu.memory_space<vmem>>, vector<16xf32>,
    tpu.vector_store %arg11[%swap3A_312, %swap3A_313], %broadcast_in_dim3A_270 {strides = array<i32>} : memref<32x16xf32, #tpu.memory_space<vmem>>, vector<16xf32>,
    %swap3A_315 = arith.constant 11 : i32
    %swap3A_316 = arith.index_cast %swap3A_315 : i32 to index
    %swap3A_317 = arith.constant 0 : index
    %swap3A_318 = tpu.vector_load %arg11[%swap3A_316, %swap3A_317] {strides = array<i32>} : memref<32x16xf32, #tpu.memory_space<vmem>>, vector<16xf32>,
    tpu.vector_store %arg11[%swap3A_316, %swap3A_317], %broadcast_in_dim3A_270 {strides = array<i32>} : memref<32x16xf32, #tpu.memory_space<vmem>>, vector<16xf32>,
    %swap3A_319 = arith.constant 12 : i32
    %swap3A_320 = arith.index_cast %swap3A_319 : i32 to index
    %swap3A_321 = arith.constant 0 : index
    %swap3A_322 = tpu.vector_load %arg11[%swap3A_320, %swap3A_321] {strides = array<i32>} : memref<32x16xf32, #tpu.memory_space<vmem>>, vector<16xf32>,
    tpu.vector_store %arg11[%swap3A_320, %swap3A_321], %broadcast_in_dim3A_270 {strides = array<i32>} : memref<32x16xf32, #tpu.memory_space<vmem>>, vector<16xf32>,
    %swap3A_323 = arith.constant 13 : i32
    %swap3A_324 = arith.index_cast %swap3A_323 : i32 to index
    %swap3A_325 = arith.constant 0 : index
    %swap3A_326 = tpu.vector_load %arg11[%swap3A_324, %swap3A_325] {strides = array<i32>} : memref<32x16xf32, #tpu.memory_space<vmem>>, vector<16xf32>,
    tpu.vector_store %arg11[%swap3A_324, %swap3A_325], %broadcast_in_dim3A_270 {strides = array<i32>} : memref<32x16xf32, #tpu.memory_space<vmem>>, vector<16xf32>,
    %swap3A_327 = arith.constant 14 : i32
    %swap3A_328 = arith.index_cast %swap3A_327 : i32 to index
    %swap3A_329 = arith.constant 0 : index
    %swap3A_330 = tpu.vector_load %arg11[%swap3A_328, %swap3A_329] {strides = array<i32>} : memref<32x16xf32, #tpu.memory_space<vmem>>, vector<16xf32>,
    tpu.vector_store %arg11[%swap3A_328, %swap3A_329], %broadcast_in_dim3A_270 {strides = array<i32>} : memref<32x16xf32, #tpu.memory_space<vmem>>, vector<16xf32>,
    %swap3A_331 = arith.constant 15 : i32
    %swap3A_332 = arith.index_cast %swap3A_331 : i32 to index
    %swap3A_333 = arith.constant 0 : index
    %swap3A_334 = tpu.vector_load %arg11[%swap3A_332, %swap3A_333] {strides = array<i32>} : memref<32x16xf32, #tpu.memory_space<vmem>>, vector<16xf32>,
    tpu.vector_store %arg11[%swap3A_332, %swap3A_333], %broadcast_in_dim3A_270 {strides = array<i32>} : memref<32x16xf32, #tpu.memory_space<vmem>>, vector<16xf32>,
    %swap3A_335 = arith.constant 16 : i32
    %swap3A_336 = arith.index_cast %swap3A_335 : i32 to index
    %swap3A_337 = arith.constant 0 : index
    %swap3A_338 = tpu.vector_load %arg11[%swap3A_336, %swap3A_337] {strides = array<i32>} : memref<32x16xf32, #tpu.memory_space<vmem>>, vector<16xf32>,
    tpu.vector_store %arg11[%swap3A_336, %swap3A_337], %broadcast_in_dim3A_270 {strides = array<i32>} : memref<32x16xf32, #tpu.memory_space<vmem>>, vector<16xf32>,
    %swap3A_339 = arith.constant 17 : i32
    %swap3A_340 = arith.index_cast %swap3A_339 : i32 to index
    %swap3A_341 = arith.constant 0 : index
    %swap3A_342 = tpu.vector_load %arg11[%swap3A_340, %swap3A_341] {strides = array<i32>} : memref<32x16xf32, #tpu.memory_space<vmem>>, vector<16xf32>,
    tpu.vector_store %arg11[%swap3A_340, %swap3A_341], %broadcast_in_dim3A_270 {strides = array<i32>} : memref<32x16xf32, #tpu.memory_space<vmem>>, vector<16xf32>,
    %swap3A_343 = arith.constant 18 : i32
    %swap3A_344 = arith.index_cast %swap3A_343 : i32 to index
    %swap3A_345 = arith.constant 0 : index
    %swap3A_346 = tpu.vector_load %arg11[%swap3A_344, %swap3A_345] {strides = array<i32>} : memref<32x16xf32, #tpu.memory_space<vmem>>, vector<16xf32>,
    tpu.vector_store %arg11[%swap3A_344, %swap3A_345], %broadcast_in_dim3A_270 {strides = array<i32>} : memref<32x16xf32, #tpu.memory_space<vmem>>, vector<16xf32>,
    %swap3A_347 = arith.constant 19 : i32
    %swap3A_348 = arith.index_cast %swap3A_347 : i32 to index
    %swap3A_349 = arith.constant 0 : index
    %swap3A_350 = tpu.vector_load %arg11[%swap3A_348, %swap3A_349] {strides = array<i32>} : memref<32x16xf32, #tpu.memory_space<vmem>>, vector<16xf32>,
    tpu.vector_store %arg11[%swap3A_348, %swap3A_349], %broadcast_in_dim3A_270 {strides = array<i32>} : memref<32x16xf32, #tpu.memory_space<vmem>>, vector<16xf32>,
    %swap3A_351 = arith.constant 20 : i32
    %swap3A_352 = arith.index_cast %swap3A_351 : i32 to index
    %swap3A_353 = arith.constant 0 : index
    %swap3A_354 = tpu.vector_load %arg11[%swap3A_352, %swap3A_353] {strides = array<i32>} : memref<32x16xf32, #tpu.memory_space<vmem>>, vector<16xf32>,
    tpu.vector_store %arg11[%swap3A_352, %swap3A_353], %broadcast_in_dim3A_270 {strides = array<i32>} : memref<32x16xf32, #tpu.memory_space<vmem>>, vector<16xf32>,
    %swap3A_355 = arith.constant 21 : i32
    %swap3A_356 = arith.index_cast %swap3A_355 : i32 to index
    %swap3A_357 = arith.constant 0 : index
    %swap3A_358 = tpu.vector_load %arg11[%swap3A_356, %swap3A_357] {strides = array<i32>} : memref<32x16xf32, #tpu.memory_space<vmem>>, vector<16xf32>,
    tpu.vector_store %arg11[%swap3A_356, %swap3A_357], %broadcast_in_dim3A_270 {strides = array<i32>} : memref<32x16xf32, #tpu.memory_space<vmem>>, vector<16xf32>,
    %swap3A_359 = arith.constant 22 : i32
    %swap3A_360 = arith.index_cast %swap3A_359 : i32 to index
    %swap3A_361 = arith.constant 0 : index
    %swap3A_362 = tpu.vector_load %arg11[%swap3A_360, %swap3A_361] {strides = array<i32>} : memref<32x16xf32, #tpu.memory_space<vmem>>, vector<16xf32>,
    tpu.vector_store %arg11[%swap3A_360, %swap3A_361], %broadcast_in_dim3A_270 {strides = array<i32>} : memref<32x16xf32, #tpu.memory_space<vmem>>, vector<16xf32>,
    %swap3A_363 = arith.constant 23 : i32
    %swap3A_364 = arith.index_cast %swap3A_363 : i32 to index
    %swap3A_365 = arith.constant 0 : index
    %swap3A_366 = tpu.vector_load %arg11[%swap3A_364, %swap3A_365] {strides = array<i32>} : memref<32x16xf32, #tpu.memory_space<vmem>>, vector<16xf32>,
    tpu.vector_store %arg11[%swap3A_364, %swap3A_365], %broadcast_in_dim3A_270 {strides = array<i32>} : memref<32x16xf32, #tpu.memory_space<vmem>>, vector<16xf32>,
    %swap3A_367 = arith.constant 24 : i32
    %swap3A_368 = arith.index_cast %swap3A_367 : i32 to index
    %swap3A_369 = arith.constant 0 : index
    %swap3A_370 = tpu.vector_load %arg11[%swap3A_368, %swap3A_369] {strides = array<i32>} : memref<32x16xf32, #tpu.memory_space<vmem>>, vector<16xf32>,
    tpu.vector_store %arg11[%swap3A_368, %swap3A_369], %broadcast_in_dim3A_270 {strides = array<i32>} : memref<32x16xf32, #tpu.memory_space<vmem>>, vector<16xf32>,
    %swap3A_371 = arith.constant 25 : i32
    %swap3A_372 = arith.index_cast %swap3A_371 : i32 to index
    %swap3A_373 = arith.constant 0 : index
    %swap3A_374 = tpu.vector_load %arg11[%swap3A_372, %swap3A_373] {strides = array<i32>} : memref<32x16xf32, #tpu.memory_space<vmem>>, vector<16xf32>,
    tpu.vector_store %arg11[%swap3A_372, %swap3A_373], %broadcast_in_dim3A_270 {strides = array<i32>} : memref<32x16xf32, #tpu.memory_space<vmem>>, vector<16xf32>,
    %swap3A_375 = arith.constant 26 : i32
    %swap3A_376 = arith.index_cast %swap3A_375 : i32 to index
    %swap3A_377 = arith.constant 0 : index
    %swap3A_378 = tpu.vector_load %arg11[%swap3A_376, %swap3A_377] {strides = array<i32>} : memref<32x16xf32, #tpu.memory_space<vmem>>, vector<16xf32>,
    tpu.vector_store %arg11[%swap3A_376, %swap3A_377], %broadcast_in_dim3A_270 {strides = array<i32>} : memref<32x16xf32, #tpu.memory_space<vmem>>, vector<16xf32>,
    %swap3A_379 = arith.constant 27 : i32
    %swap3A_380 = arith.index_cast %swap3A_379 : i32 to index
    %swap3A_381 = arith.constant 0 : index
    %swap3A_382 = tpu.vector_load %arg11[%swap3A_380, %swap3A_381] {strides = array<i32>} : memref<32x16xf32, #tpu.memory_space<vmem>>, vector<16xf32>,
    tpu.vector_store %arg11[%swap3A_380, %swap3A_381], %broadcast_in_dim3A_270 {strides = array<i32>} : memref<32x16xf32, #tpu.memory_space<vmem>>, vector<16xf32>,
    %swap3A_383 = arith.constant 28 : i32
    %swap3A_384 = arith.index_cast %swap3A_383 : i32 to index
    %swap3A_385 = arith.constant 0 : index
    %swap3A_386 = tpu.vector_load %arg11[%swap3A_384, %swap3A_385] {strides = array<i32>} : memref<32x16xf32, #tpu.memory_space<vmem>>, vector<16xf32>,
    tpu.vector_store %arg11[%swap3A_384, %swap3A_385], %broadcast_in_dim3A_270 {strides = array<i32>} : memref<32x16xf32, #tpu.memory_space<vmem>>, vector<16xf32>,
    %swap3A_387 = arith.constant 29 : i32
    %swap3A_388 = arith.index_cast %swap3A_387 : i32 to index
    %swap3A_389 = arith.constant 0 : index
    %swap3A_390 = tpu.vector_load %arg11[%swap3A_388, %swap3A_389] {strides = array<i32>} : memref<32x16xf32, #tpu.memory_space<vmem>>, vector<16xf32>,
    tpu.vector_store %arg11[%swap3A_388, %swap3A_389], %broadcast_in_dim3A_270 {strides = array<i32>} : memref<32x16xf32, #tpu.memory_space<vmem>>, vector<16xf32>,
    %swap3A_391 = arith.constant 30 : i32
    %swap3A_392 = arith.index_cast %swap3A_391 : i32 to index
    %swap3A_393 = arith.constant 0 : index
    %swap3A_394 = tpu.vector_load %arg11[%swap3A_392, %swap3A_393] {strides = array<i32>} : memref<32x16xf32, #tpu.memory_space<vmem>>, vector<16xf32>,
    tpu.vector_store %arg11[%swap3A_392, %swap3A_393], %broadcast_in_dim3A_270 {strides = array<i32>} : memref<32x16xf32, #tpu.memory_space<vmem>>, vector<16xf32>,
    %swap3A_395 = arith.constant 31 : i32
    %swap3A_396 = arith.index_cast %swap3A_395 : i32 to index
    %swap3A_397 = arith.constant 0 : index
    %swap3A_398 = tpu.vector_load %arg11[%swap3A_396, %swap3A_397] {strides = array<i32>} : memref<32x16xf32, #tpu.memory_space<vmem>>, vector<16xf32>,
    tpu.vector_store %arg11[%swap3A_396, %swap3A_397], %broadcast_in_dim3A_270 {strides = array<i32>} : memref<32x16xf32, #tpu.memory_space<vmem>>, vector<16xf32>,
    %dma_wait3A = tpu.memref_slice %arg3[%min3A_111] : memref<100000xi32, #tpu.memory_space<hbm>> -> memref<3160xi32, #tpu.memory_space<hbm>>
    %dma_wait3A_399 = tpu.memref_slice %arg3[%min3A_111] : memref<100000xi32, #tpu.memory_space<hbm>> -> memref<3160xi32, #tpu.memory_space<hbm>>
    tpu.wait_dma2 semaphore(%arg16 : memref<!tpu.dma_semaphore, #tpu.memory_space<semaphore_mem>>) src(%dma_wait3A_399 : memref<3160xi32, #tpu.memory_space<hbm>>) dst(%arg6 : memref<3160xi32, #tpu.memory_space<vmem>>)
    %iota3A = tpu.iota {dimensions = array<i32: 0>} : vector<16xi32>
    %broadcast_in_dim3A_400 = arith.constant 64 : i32
    %broadcast_in_dim3A_401 = vector.broadcast %broadcast_in_dim3A_400 : i32 to vector<16xi32>
    %broadcast_in_dim3A_402 = arith.constant 0 : i32
    %broadcast_in_dim3A_403 = vector.broadcast %broadcast_in_dim3A_402 : i32 to vector<16xi32>
    %scan3A_404 = arith.constant 0 : i32
    %scan3A_405 = arith.constant 25 : i32
    %scan3A_406 = arith.addi %scan3A_404, %scan3A_405 : i32
    %scan3A_407 = arith.constant 1 : i32
    %scan3A_408:2 = scf.for %scan3A_420 = %scan3A_404 to %scan3A_406 step %scan3A_407 iter_args(%scan3A_421 = %broadcast_in_dim3A_403, %scan3A_422 = %broadcast_in_dim3A_401) -> (vector<16xi32>, vector<16xi32>)  : i32 {
      %add3A_423 = arith.constant 6 : i32
      %add3A_424 = arith.addi %scan3A_420, %add3A_423 : i32
      %sub3A_425 = arith.constant 1 : i32
      %sub3A_426 = arith.subi %add3A_424, %sub3A_425 : i32
      %lt3A = arith.constant 25 : i32
      %lt3A_427 = arith.cmpi slt, %sub3A_426, %lt3A : i32
      %convert_element_type3A_428 = arith.extui %lt3A_427 : i1 to i32
      %cond3A_429 = arith.constant 0 : i32
      %cond3A_430 = arith.cmpi ne, %convert_element_type3A_428, %cond3A_429 : i32
      scf.if %cond3A_430 {
        %add3A_594 = arith.constant 6 : i32
        %add3A_595 = arith.addi %scan3A_420, %add3A_594 : i32
        %sub3A_596 = arith.constant 1 : i32
        %sub3A_597 = arith.subi %add3A_595, %sub3A_596 : i32
        %mul3A_598 = arith.constant 125 : i32
        %mul3A_599 = arith.muli %sub3A_597, %mul3A_598 : i32
        %add3A_600 = arith.addi %mul3A_2, %mul3A_599 : i32
        %jit3A_601 = arith.constant 6 : i32
        %eq3A_602 = arith.constant 0 : i32
        %eq3A_603 = arith.cmpi eq, %jit3A_601, %eq3A_602 : i32
        %jit3A_604 = arith.constant 1 : i32
        %select_n3A_605 = arith.select %eq3A_603, %jit3A_604, %jit3A_601 : i32
        %rem3A_606 = arith.remsi %sub3A_597, %select_n3A_605 : i32
        %ne3A_607 = arith.constant 0 : i32
        %ne3A_608 = arith.cmpi ne, %rem3A_606, %ne3A_607 : i32
        %lt3A_609 = arith.constant 0 : i32
        %lt3A_610 = arith.cmpi slt, %rem3A_606, %lt3A_609 : i32
        %lt3A_611 = arith.constant 0 : i32
        %lt3A_612 = arith.cmpi slt, %select_n3A_605, %lt3A_611 : i32
        %ne3A_613 = arith.xori %lt3A_610, %lt3A_612 : i1
        %and3A_614 = arith.andi %ne3A_613, %ne3A_608 : i1
        %add3A_615 = arith.addi %rem3A_606, %select_n3A_605 : i32
        %select_n3A_616 = arith.select %and3A_614, %add3A_615, %rem3A_606 : i32
        %jit3A_617 = arith.constant 6 : i32
        %eq3A_618 = arith.constant 0 : i32
        %eq3A_619 = arith.cmpi eq, %jit3A_617, %eq3A_618 : i32
        %jit3A_620 = arith.constant 1 : i32
        %select_n3A_621 = arith.select %eq3A_619, %jit3A_620, %jit3A_617 : i32
        %rem3A_622 = arith.remsi %sub3A_597, %select_n3A_621 : i32
        %ne3A_623 = arith.constant 0 : i32
        %ne3A_624 = arith.cmpi ne, %rem3A_622, %ne3A_623 : i32
        %lt3A_625 = arith.constant 0 : i32
        %lt3A_626 = arith.cmpi slt, %rem3A_622, %lt3A_625 : i32
        %lt3A_627 = arith.constant 0 : i32
        %lt3A_628 = arith.cmpi slt, %select_n3A_621, %lt3A_627 : i32
        %ne3A_629 = arith.xori %lt3A_626, %lt3A_628 : i1
        %and3A_630 = arith.andi %ne3A_629, %ne3A_624 : i1
        %add3A_631 = arith.addi %rem3A_622, %select_n3A_621 : i32
        %select_n3A_632 = arith.select %and3A_630, %add3A_631, %rem3A_622 : i32
        %dma_start3A_633 = arith.constant 0 : i32
        %dma_start3A_634 = arith.constant 0 : i32
        %dma_start3A_635 = tpu.memref_slice %arg8[%select_n3A_616, %dma_start3A_633, %dma_start3A_634] : memref<6x125x128xf32, #tpu.memory_space<vmem>> -> memref<1x125x128xf32, #tpu.memory_space<vmem>>
        %dma_start3A_636 = tpu.memref_squeeze %dma_start3A_635 : memref<1x125x128xf32, #tpu.memory_space<vmem>> -> memref<125x128xf32, #tpu.memory_space<vmem>>
        %dma_start3A_637 = arith.constant 0 : i32
        %dma_start3A_638 = tpu.memref_slice %arg2[%add3A_600, %dma_start3A_637] : memref<100000x128xf32, #tpu.memory_space<hbm>> -> memref<125x128xf32, #tpu.memory_space<hbm>>
        %dma_start3A_639 = tpu.memref_slice %arg15[%select_n3A_632] : memref<6x!tpu.dma_semaphore, #tpu.memory_space<semaphore_mem>> -> memref<1x!tpu.dma_semaphore, #tpu.memory_space<semaphore_mem>>
        %dma_start3A_640 = tpu.memref_squeeze %dma_start3A_639 : memref<1x!tpu.dma_semaphore, #tpu.memory_space<semaphore_mem>> -> memref<!tpu.dma_semaphore, #tpu.memory_space<semaphore_mem>>
        %dma_start3A_641 = arith.constant 0 : i32
        %dma_start3A_642 = arith.constant 0 : i32
        %dma_start3A_643 = tpu.memref_slice %arg8[%select_n3A_616, %dma_start3A_641, %dma_start3A_642] : memref<6x125x128xf32, #tpu.memory_space<vmem>> -> memref<1x125x128xf32, #tpu.memory_space<vmem>>
        %dma_start3A_644 = tpu.memref_squeeze %dma_start3A_643 : memref<1x125x128xf32, #tpu.memory_space<vmem>> -> memref<125x128xf32, #tpu.memory_space<vmem>>
        %dma_start3A_645 = arith.constant 0 : i32
        %dma_start3A_646 = tpu.memref_slice %arg2[%add3A_600, %dma_start3A_645] : memref<100000x128xf32, #tpu.memory_space<hbm>> -> memref<125x128xf32, #tpu.memory_space<hbm>>
        tpu.enqueue_dma source(%dma_start3A_646 : memref<125x128xf32, #tpu.memory_space<hbm>>) target(%dma_start3A_644 : memref<125x128xf32, #tpu.memory_space<vmem>>) target_semaphore(%dma_start3A_640 : memref<!tpu.dma_semaphore, #tpu.memory_space<semaphore_mem>>)
      } else {
      }
      %mul3A_431 = arith.constant 125 : i32
      %mul3A_432 = arith.muli %scan3A_420, %mul3A_431 : i32
      %add3A_433 = arith.addi %mul3A_2, %mul3A_432 : i32
      %jit3A_434 = arith.constant 6 : i32
      %eq3A_435 = arith.constant 0 : i32
      %eq3A_436 = arith.cmpi eq, %jit3A_434, %eq3A_435 : i32
      %jit3A_437 = arith.constant 1 : i32
      %select_n3A_438 = arith.select %eq3A_436, %jit3A_437, %jit3A_434 : i32
      %rem3A_439 = arith.remsi %scan3A_420, %select_n3A_438 : i32
      %ne3A_440 = arith.constant 0 : i32
      %ne3A_441 = arith.cmpi ne, %rem3A_439, %ne3A_440 : i32
      %lt3A_442 = arith.constant 0 : i32
      %lt3A_443 = arith.cmpi slt, %rem3A_439, %lt3A_442 : i32
      %lt3A_444 = arith.constant 0 : i32
      %lt3A_445 = arith.cmpi slt, %select_n3A_438, %lt3A_444 : i32
      %ne3A_446 = arith.xori %lt3A_443, %lt3A_445 : i1
      %and3A_447 = arith.andi %ne3A_446, %ne3A_441 : i1
      %add3A_448 = arith.addi %rem3A_439, %select_n3A_438 : i32
      %select_n3A_449 = arith.select %and3A_447, %add3A_448, %rem3A_439 : i32
      %jit3A_450 = arith.constant 6 : i32
      %eq3A_451 = arith.constant 0 : i32
      %eq3A_452 = arith.cmpi eq, %jit3A_450, %eq3A_451 : i32
      %jit3A_453 = arith.constant 1 : i32
      %select_n3A_454 = arith.select %eq3A_452, %jit3A_453, %jit3A_450 : i32
      %rem3A_455 = arith.remsi %scan3A_420, %select_n3A_454 : i32
      %ne3A_456 = arith.constant 0 : i32
      %ne3A_457 = arith.cmpi ne, %rem3A_455, %ne3A_456 : i32
      %lt3A_458 = arith.constant 0 : i32
      %lt3A_459 = arith.cmpi slt, %rem3A_455, %lt3A_458 : i32
      %lt3A_460 = arith.constant 0 : i32
      %lt3A_461 = arith.cmpi slt, %select_n3A_454, %lt3A_460 : i32
      %ne3A_462 = arith.xori %lt3A_459, %lt3A_461 : i1
      %and3A_463 = arith.andi %ne3A_462, %ne3A_457 : i1
      %add3A_464 = arith.addi %rem3A_455, %select_n3A_454 : i32
      %select_n3A_465 = arith.select %and3A_463, %add3A_464, %rem3A_455 : i32
      %dma_wait3A_466 = arith.constant 0 : i32
      %dma_wait3A_467 = arith.constant 0 : i32
      %dma_wait3A_468 = tpu.memref_slice %arg8[%select_n3A_449, %dma_wait3A_466, %dma_wait3A_467] : memref<6x125x128xf32, #tpu.memory_space<vmem>> -> memref<1x125x128xf32, #tpu.memory_space<vmem>>
      %dma_wait3A_469 = tpu.memref_squeeze %dma_wait3A_468 : memref<1x125x128xf32, #tpu.memory_space<vmem>> -> memref<125x128xf32, #tpu.memory_space<vmem>>
      %dma_wait3A_470 = arith.constant 0 : i32
      %dma_wait3A_471 = tpu.memref_slice %arg2[%add3A_433, %dma_wait3A_470] : memref<100000x128xf32, #tpu.memory_space<hbm>> -> memref<125x128xf32, #tpu.memory_space<hbm>>
      %dma_wait3A_472 = tpu.memref_slice %arg15[%select_n3A_465] : memref<6x!tpu.dma_semaphore, #tpu.memory_space<semaphore_mem>> -> memref<1x!tpu.dma_semaphore, #tpu.memory_space<semaphore_mem>>
      %dma_wait3A_473 = tpu.memref_squeeze %dma_wait3A_472 : memref<1x!tpu.dma_semaphore, #tpu.memory_space<semaphore_mem>> -> memref<!tpu.dma_semaphore, #tpu.memory_space<semaphore_mem>>
      %dma_wait3A_474 = arith.constant 0 : i32
      %dma_wait3A_475 = arith.constant 0 : i32
      %dma_wait3A_476 = tpu.memref_slice %arg8[%select_n3A_449, %dma_wait3A_474, %dma_wait3A_475] : memref<6x125x128xf32, #tpu.memory_space<vmem>> -> memref<1x125x128xf32, #tpu.memory_space<vmem>>
      %dma_wait3A_477 = tpu.memref_squeeze %dma_wait3A_476 : memref<1x125x128xf32, #tpu.memory_space<vmem>> -> memref<125x128xf32, #tpu.memory_space<vmem>>
      %dma_wait3A_478 = arith.constant 0 : i32
      %dma_wait3A_479 = tpu.memref_slice %arg2[%add3A_433, %dma_wait3A_478] : memref<100000x128xf32, #tpu.memory_space<hbm>> -> memref<125x128xf32, #tpu.memory_space<hbm>>
      tpu.wait_dma2 semaphore(%dma_wait3A_473 : memref<!tpu.dma_semaphore, #tpu.memory_space<semaphore_mem>>) src(%dma_wait3A_479 : memref<125x128xf32, #tpu.memory_space<hbm>>) dst(%dma_wait3A_477 : memref<125x128xf32, #tpu.memory_space<vmem>>)
      %jit3A_480 = arith.constant 6 : i32
      %eq3A_481 = arith.constant 0 : i32
      %eq3A_482 = arith.cmpi eq, %jit3A_480, %eq3A_481 : i32
      %jit3A_483 = arith.constant 1 : i32
      %select_n3A_484 = arith.select %eq3A_482, %jit3A_483, %jit3A_480 : i32
      %rem3A_485 = arith.remsi %scan3A_420, %select_n3A_484 : i32
      %ne3A_486 = arith.constant 0 : i32
      %ne3A_487 = arith.cmpi ne, %rem3A_485, %ne3A_486 : i32
      %lt3A_488 = arith.constant 0 : i32
      %lt3A_489 = arith.cmpi slt, %rem3A_485, %lt3A_488 : i32
      %lt3A_490 = arith.constant 0 : i32
      %lt3A_491 = arith.cmpi slt, %select_n3A_484, %lt3A_490 : i32
      %ne3A_492 = arith.xori %lt3A_489, %lt3A_491 : i1
      %and3A_493 = arith.andi %ne3A_492, %ne3A_487 : i1
      %add3A_494 = arith.addi %rem3A_485, %select_n3A_484 : i32
      %select_n3A_495 = arith.select %and3A_493, %add3A_494, %rem3A_485 : i32
      %mul3A_496 = arith.constant 125 : i32
      %mul3A_497 = arith.muli %scan3A_420, %mul3A_496 : i32
      %add3A_498 = arith.addi %sub3A_112, %mul3A_497 : i32
      %get3A = arith.index_cast %add3A_498 : i32 to index
      %get3A_499 = tpu.vector_load %arg6[%get3A] {strides = array<i32>} : memref<3160xi32, #tpu.memory_space<vmem>>, vector<16xi32>,
      %add3A_500 = arith.constant 16 : i32
      %add3A_501 = arith.addi %add3A_498, %add3A_500 : i32
      %get3A_502 = arith.index_cast %add3A_501 : i32 to index
      %get3A_503 = tpu.vector_load %arg6[%get3A_502] {strides = array<i32>} : memref<3160xi32, #tpu.memory_space<vmem>>, vector<16xi32>,
      %min3A_504 = arith.minsi %get3A_499, %get3A_503 : vector<16xi32>
      %max3A = arith.maxsi %get3A_499, %get3A_503 : vector<16xi32>
      %add3A_505 = arith.constant 32 : i32
      %add3A_506 = arith.addi %add3A_498, %add3A_505 : i32
      %get3A_507 = arith.index_cast %add3A_506 : i32 to index
      %get3A_508 = tpu.vector_load %arg6[%get3A_507] {strides = array<i32>} : memref<3160xi32, #tpu.memory_space<vmem>>, vector<16xi32>,
      %min3A_509 = arith.minsi %min3A_504, %get3A_508 : vector<16xi32>
      %max3A_510 = arith.maxsi %max3A, %get3A_508 : vector<16xi32>
      %add3A_511 = arith.constant 48 : i32
      %add3A_512 = arith.addi %add3A_498, %add3A_511 : i32
      %get3A_513 = arith.index_cast %add3A_512 : i32 to index
      %get3A_514 = tpu.vector_load %arg6[%get3A_513] {strides = array<i32>} : memref<3160xi32, #tpu.memory_space<vmem>>, vector<16xi32>,
      %min3A_515 = arith.minsi %min3A_509, %get3A_514 : vector<16xi32>
      %max3A_516 = arith.maxsi %max3A_510, %get3A_514 : vector<16xi32>
      %add3A_517 = arith.constant 64 : i32
      %add3A_518 = arith.addi %add3A_498, %add3A_517 : i32
      %get3A_519 = arith.index_cast %add3A_518 : i32 to index
      %get3A_520 = tpu.vector_load %arg6[%get3A_519] {strides = array<i32>} : memref<3160xi32, #tpu.memory_space<vmem>>, vector<16xi32>,
      %min3A_521 = arith.minsi %min3A_515, %get3A_520 : vector<16xi32>
      %max3A_522 = arith.maxsi %max3A_516, %get3A_520 : vector<16xi32>
      %add3A_523 = arith.constant 80 : i32
      %add3A_524 = arith.addi %add3A_498, %add3A_523 : i32
      %get3A_525 = arith.index_cast %add3A_524 : i32 to index
      %get3A_526 = tpu.vector_load %arg6[%get3A_525] {strides = array<i32>} : memref<3160xi32, #tpu.memory_space<vmem>>, vector<16xi32>,
      %min3A_527 = arith.minsi %min3A_521, %get3A_526 : vector<16xi32>
      %max3A_528 = arith.maxsi %max3A_522, %get3A_526 : vector<16xi32>
      %add3A_529 = arith.constant 96 : i32
      %add3A_530 = arith.addi %add3A_498, %add3A_529 : i32
      %get3A_531 = arith.index_cast %add3A_530 : i32 to index
      %get3A_532 = tpu.vector_load %arg6[%get3A_531] {strides = array<i32>} : memref<3160xi32, #tpu.memory_space<vmem>>, vector<16xi32>,
      %min3A_533 = arith.minsi %min3A_527, %get3A_532 : vector<16xi32>
      %max3A_534 = arith.maxsi %max3A_528, %get3A_532 : vector<16xi32>
      %add3A_535 = arith.constant 109 : i32
      %add3A_536 = arith.addi %add3A_498, %add3A_535 : i32
      %get3A_537 = arith.index_cast %add3A_536 : i32 to index
      %get3A_538 = tpu.vector_load %arg6[%get3A_537] {strides = array<i32>} : memref<3160xi32, #tpu.memory_space<vmem>>, vector<16xi32>,
      %min3A_539 = arith.minsi %min3A_533, %get3A_538 : vector<16xi32>
      %max3A_540 = arith.maxsi %max3A_534, %get3A_538 : vector<16xi32>
      %reduce_min3A = arith.constant true
      %reduce_min3A_541 = vector.broadcast %reduce_min3A : i1 to vector<16xi1>
      %reduce_min3A_542 = arith.constant -2147483648 : i32
      %reduce_min3A_543 = vector.broadcast %reduce_min3A_542 : i32 to vector<16xi32>
      %reduce_min3A_544 = arith.xori %min3A_539, %reduce_min3A_543 : vector<16xi32>
      %reduce_min3A_545 = tpu.scan <min>, %reduce_min3A_544 masked %reduce_min3A_541 : vector<16xi32>, vector<16xi1> -> vector<16xi32>
      %reduce_min3A_546 = arith.xori %reduce_min3A_545, %reduce_min3A_543 : vector<16xi32>
      %reduce_min3A_547 = vector.extract %reduce_min3A_546[15] : i32 from vector<16xi32>
      %reduce_max3A = arith.constant true
      %reduce_max3A_548 = vector.broadcast %reduce_max3A : i1 to vector<16xi1>
      %reduce_max3A_549 = arith.constant -2147483648 : i32
      %reduce_max3A_550 = vector.broadcast %reduce_max3A_549 : i32 to vector<16xi32>
      %reduce_max3A_551 = arith.xori %max3A_540, %reduce_max3A_550 : vector<16xi32>
      %reduce_max3A_552 = tpu.scan <max>, %reduce_max3A_551 masked %reduce_max3A_548 : vector<16xi32>, vector<16xi1> -> vector<16xi32>
      %reduce_max3A_553 = arith.xori %reduce_max3A_552, %reduce_max3A_550 : vector<16xi32>
      %reduce_max3A_554 = vector.extract %reduce_max3A_553[15] : i32 from vector<16xi32>
      %ne3A_555 = arith.cmpi ne, %reduce_min3A_547, %reduce_max3A_554 : i32
      %jit3A_556 = arith.constant 64 : i32
      %select_n3A_557 = arith.select %ne3A_555, %jit3A_556, %reduce_min3A_547 : i32
      %jit3A_558 = arith.constant 16 : i32
      %eq3A_559 = arith.constant 0 : i32
      %eq3A_560 = arith.cmpi eq, %jit3A_558, %eq3A_559 : i32
      %jit3A_561 = arith.constant 1 : i32
      %select_n3A_562 = arith.select %eq3A_560, %jit3A_561, %jit3A_558 : i32
      %rem3A_563 = arith.remsi %scan3A_420, %select_n3A_562 : i32
      %ne3A_564 = arith.constant 0 : i32
      %ne3A_565 = arith.cmpi ne, %rem3A_563, %ne3A_564 : i32
      %lt3A_566 = arith.constant 0 : i32
      %lt3A_567 = arith.cmpi slt, %rem3A_563, %lt3A_566 : i32
      %lt3A_568 = arith.constant 0 : i32
      %lt3A_569 = arith.cmpi slt, %select_n3A_562, %lt3A_568 : i32
      %ne3A_570 = arith.xori %lt3A_567, %lt3A_569 : i1
      %and3A_571 = arith.andi %ne3A_570, %ne3A_565 : i1
      %add3A_572 = arith.addi %rem3A_563, %select_n3A_562 : i32
      %select_n3A_573 = arith.select %and3A_571, %add3A_572, %rem3A_563 : i32
      %eq3A_574 = vector.broadcast %select_n3A_573 : i32 to vector<16xi32>
      %eq3A_575 = arith.cmpi eq, %iota3A, %eq3A_574 : vector<16xi32>
      %lt3A_576 = arith.constant 16 : i32
      %lt3A_577 = arith.cmpi slt, %scan3A_420, %lt3A_576 : i32
      %and3A_578 = vector.broadcast %lt3A_577 : i1 to vector<16xi1>
      %and3A_579 = arith.andi %and3A_578, %eq3A_575 : vector<16xi1>
      %broadcast_in_dim3A_580 = vector.broadcast %select_n3A_557 : i32 to vector<16xi32>
      %select_n3A_581 = arith.select %and3A_579, %broadcast_in_dim3A_580, %scan3A_421 : vector<16xi1>, vector<16xi32>
      %ge3A = arith.constant 16 : i32
      %ge3A_582 = arith.cmpi sge, %scan3A_420, %ge3A : i32
      %and3A_583 = vector.broadcast %ge3A_582 : i1 to vector<16xi1>
      %and3A_584 = arith.andi %and3A_583, %eq3A_575 : vector<16xi1>
      %broadcast_in_dim3A_585 = vector.broadcast %select_n3A_557 : i32 to vector<16xi32>
      %select_n3A_586 = arith.select %and3A_584, %broadcast_in_dim3A_585, %scan3A_422 : vector<16xi1>, vector<16xi32>
      %convert_element_type3A_587 = arith.extui %ne3A_555 : i1 to i32
      %cond3A_588 = arith.constant 0 : i32
      %cond3A_589 = arith.cmpi ne, %convert_element_type3A_587, %cond3A_588 : i32
      scf.if %cond3A_589 {
        %add3A_594 = arith.constant 0 : i32
        %add3A_595 = arith.addi %add3A_498, %add3A_594 : i32
        %get3A_596 = arith.index_cast %add3A_595 : i32 to index
        %get3A_597 = tpu.vector_load %arg6[%get3A_596] {strides = array<i32>} : memref<3160xi32, #tpu.memory_space<vmem>>, vector<16xi32>,
        %swap3A_598 = arith.constant 0 : index
        %swap3A_599 = tpu.vector_load %arg7[%swap3A_598] {strides = array<i32>} : memref<125xi32, #tpu.memory_space<vmem>>, vector<16xi32>,
        tpu.vector_store %arg7[%swap3A_598], %get3A_597 {strides = array<i32>} : memref<125xi32, #tpu.memory_space<vmem>>, vector<16xi32>,
        %add3A_600 = arith.constant 16 : i32
        %add3A_601 = arith.addi %add3A_498, %add3A_600 : i32
        %get3A_602 = arith.index_cast %add3A_601 : i32 to index
        %get3A_603 = tpu.vector_load %arg6[%get3A_602] {strides = array<i32>} : memref<3160xi32, #tpu.memory_space<vmem>>, vector<16xi32>,
        %swap3A_604 = arith.constant 16 : index
        %swap3A_605 = tpu.vector_load %arg7[%swap3A_604] {strides = array<i32>} : memref<125xi32, #tpu.memory_space<vmem>>, vector<16xi32>,
        tpu.vector_store %arg7[%swap3A_604], %get3A_603 {strides = array<i32>} : memref<125xi32, #tpu.memory_space<vmem>>, vector<16xi32>,
        %add3A_606 = arith.constant 32 : i32
        %add3A_607 = arith.addi %add3A_498, %add3A_606 : i32
        %get3A_608 = arith.index_cast %add3A_607 : i32 to index
        %get3A_609 = tpu.vector_load %arg6[%get3A_608] {strides = array<i32>} : memref<3160xi32, #tpu.memory_space<vmem>>, vector<16xi32>,
        %swap3A_610 = arith.constant 32 : index
        %swap3A_611 = tpu.vector_load %arg7[%swap3A_610] {strides = array<i32>} : memref<125xi32, #tpu.memory_space<vmem>>, vector<16xi32>,
        tpu.vector_store %arg7[%swap3A_610], %get3A_609 {strides = array<i32>} : memref<125xi32, #tpu.memory_space<vmem>>, vector<16xi32>,
        %add3A_612 = arith.constant 48 : i32
        %add3A_613 = arith.addi %add3A_498, %add3A_612 : i32
        %get3A_614 = arith.index_cast %add3A_613 : i32 to index
        %get3A_615 = tpu.vector_load %arg6[%get3A_614] {strides = array<i32>} : memref<3160xi32, #tpu.memory_space<vmem>>, vector<16xi32>,
        %swap3A_616 = arith.constant 48 : index
        %swap3A_617 = tpu.vector_load %arg7[%swap3A_616] {strides = array<i32>} : memref<125xi32, #tpu.memory_space<vmem>>, vector<16xi32>,
        tpu.vector_store %arg7[%swap3A_616], %get3A_615 {strides = array<i32>} : memref<125xi32, #tpu.memory_space<vmem>>, vector<16xi32>,
        %add3A_618 = arith.constant 64 : i32
        %add3A_619 = arith.addi %add3A_498, %add3A_618 : i32
        %get3A_620 = arith.index_cast %add3A_619 : i32 to index
        %get3A_621 = tpu.vector_load %arg6[%get3A_620] {strides = array<i32>} : memref<3160xi32, #tpu.memory_space<vmem>>, vector<16xi32>,
        %swap3A_622 = arith.constant 64 : index
        %swap3A_623 = tpu.vector_load %arg7[%swap3A_622] {strides = array<i32>} : memref<125xi32, #tpu.memory_space<vmem>>, vector<16xi32>,
        tpu.vector_store %arg7[%swap3A_622], %get3A_621 {strides = array<i32>} : memref<125xi32, #tpu.memory_space<vmem>>, vector<16xi32>,
        %add3A_624 = arith.constant 80 : i32
        %add3A_625 = arith.addi %add3A_498, %add3A_624 : i32
        %get3A_626 = arith.index_cast %add3A_625 : i32 to index
        %get3A_627 = tpu.vector_load %arg6[%get3A_626] {strides = array<i32>} : memref<3160xi32, #tpu.memory_space<vmem>>, vector<16xi32>,
        %swap3A_628 = arith.constant 80 : index
        %swap3A_629 = tpu.vector_load %arg7[%swap3A_628] {strides = array<i32>} : memref<125xi32, #tpu.memory_space<vmem>>, vector<16xi32>,
        tpu.vector_store %arg7[%swap3A_628], %get3A_627 {strides = array<i32>} : memref<125xi32, #tpu.memory_space<vmem>>, vector<16xi32>,
        %add3A_630 = arith.constant 96 : i32
        %add3A_631 = arith.addi %add3A_498, %add3A_630 : i32
        %get3A_632 = arith.index_cast %add3A_631 : i32 to index
        %get3A_633 = tpu.vector_load %arg6[%get3A_632] {strides = array<i32>} : memref<3160xi32, #tpu.memory_space<vmem>>, vector<16xi32>,
        %swap3A_634 = arith.constant 96 : index
        %swap3A_635 = tpu.vector_load %arg7[%swap3A_634] {strides = array<i32>} : memref<125xi32, #tpu.memory_space<vmem>>, vector<16xi32>,
        tpu.vector_store %arg7[%swap3A_634], %get3A_633 {strides = array<i32>} : memref<125xi32, #tpu.memory_space<vmem>>, vector<16xi32>,
        %add3A_636 = arith.constant 109 : i32
        %add3A_637 = arith.addi %add3A_498, %add3A_636 : i32
        %get3A_638 = arith.index_cast %add3A_637 : i32 to index
        %get3A_639 = tpu.vector_load %arg6[%get3A_638] {strides = array<i32>} : memref<3160xi32, #tpu.memory_space<vmem>>, vector<16xi32>,
        %swap3A_640 = arith.constant 109 : index
        %swap3A_641 = tpu.vector_load %arg7[%swap3A_640] {strides = array<i32>} : memref<125xi32, #tpu.memory_space<vmem>>, vector<16xi32>,
        tpu.vector_store %arg7[%swap3A_640], %get3A_639 {strides = array<i32>} : memref<125xi32, #tpu.memory_space<vmem>>, vector<16xi32>,
        "tpu.region"() ({
          %run_scoped3A = tpu.sem_alloc : memref<!tpu.dma_semaphore, #tpu.memory_space<semaphore_mem>>
          %dma_start3A_642 = arith.constant 0 : i32
          %dma_start3A_643 = arith.constant 0 : i32
          %dma_start3A_644 = tpu.memref_slice %arg8[%select_n3A_495, %dma_start3A_642, %dma_start3A_643] : memref<6x125x128xf32, #tpu.memory_space<vmem>> -> memref<1x125x128xf32, #tpu.memory_space<vmem>>
          %dma_start3A_645 = tpu.memref_squeeze %dma_start3A_644 : memref<1x125x128xf32, #tpu.memory_space<vmem>> -> memref<125x128xf32, #tpu.memory_space<vmem>>
          %dma_start3A_646 = arith.constant 0 : i32
          %dma_start3A_647 = arith.constant 0 : i32
          %dma_start3A_648 = tpu.memref_slice %arg13[%dma_start3A_646, %dma_start3A_647] : memref<65x128xf32, #tpu.memory_space<vmem_shared>> -> memref<65x128xf32, #tpu.memory_space<vmem_shared>>
          tpu.enqueue_indirect_dma source(%dma_start3A_645 : memref<125x128xf32, #tpu.memory_space<vmem>>) target(%dma_start3A_648 : memref<65x128xf32, #tpu.memory_space<vmem_shared>>) offsets(%arg7 : memref<125xi32, #tpu.memory_space<vmem>>) semaphore(%run_scoped3A : memref<!tpu.dma_semaphore, #tpu.memory_space<semaphore_mem>>) {add = true}
          %dma_wait3A_649 = arith.constant 0 : i32
          %dma_wait3A_650 = arith.constant 0 : i32
          %dma_wait3A_651 = tpu.memref_slice %arg8[%select_n3A_495, %dma_wait3A_649, %dma_wait3A_650] : memref<6x125x128xf32, #tpu.memory_space<vmem>> -> memref<1x125x128xf32, #tpu.memory_space<vmem>>
          %dma_wait3A_652 = tpu.memref_squeeze %dma_wait3A_651 : memref<1x125x128xf32, #tpu.memory_space<vmem>> -> memref<125x128xf32, #tpu.memory_space<vmem>>
          %dma_wait3A_653 = arith.constant 0 : i32
          %dma_wait3A_654 = arith.constant 0 : i32
          %dma_wait3A_655 = tpu.memref_slice %arg13[%dma_wait3A_653, %dma_wait3A_654] : memref<65x128xf32, #tpu.memory_space<vmem_shared>> -> memref<65x128xf32, #tpu.memory_space<vmem_shared>>
          tpu.wait_indirect_dma semaphore(%run_scoped3A : memref<!tpu.dma_semaphore, #tpu.memory_space<semaphore_mem>>) src(%dma_wait3A_652 : memref<125x128xf32, #tpu.memory_space<vmem>>) dst(%dma_wait3A_655 : memref<65x128xf32, #tpu.memory_space<vmem_shared>>)
          tpu.yield
        }) : () -> ()
        "tpu.region"() ({
          %run_scoped3A = tpu.sem_alloc : memref<!tpu.dma_semaphore, #tpu.memory_space<semaphore_mem>>
          %dma_start3A_642 = arith.constant 0 : i32
          %dma_start3A_643 = arith.constant 0 : i32
          %dma_start3A_644 = tpu.memref_slice %arg14[%dma_start3A_642, %dma_start3A_643] : memref<65x16xf32, #tpu.memory_space<vmem_shared>> -> memref<65x16xf32, #tpu.memory_space<vmem_shared>>
          tpu.enqueue_indirect_dma source(%arg9 : memref<125x16xf32, #tpu.memory_space<vmem>>) target(%dma_start3A_644 : memref<65x16xf32, #tpu.memory_space<vmem_shared>>) offsets(%arg7 : memref<125xi32, #tpu.memory_space<vmem>>) semaphore(%run_scoped3A : memref<!tpu.dma_semaphore, #tpu.memory_space<semaphore_mem>>) {add = true}
          %dma_wait3A_645 = arith.constant 0 : i32
          %dma_wait3A_646 = arith.constant 0 : i32
          %dma_wait3A_647 = tpu.memref_slice %arg14[%dma_wait3A_645, %dma_wait3A_646] : memref<65x16xf32, #tpu.memory_space<vmem_shared>> -> memref<65x16xf32, #tpu.memory_space<vmem_shared>>
          tpu.wait_indirect_dma semaphore(%run_scoped3A : memref<!tpu.dma_semaphore, #tpu.memory_space<semaphore_mem>>) src(%arg9 : memref<125x16xf32, #tpu.memory_space<vmem>>) dst(%dma_wait3A_647 : memref<65x16xf32, #tpu.memory_space<vmem_shared>>)
          tpu.yield
        }) : () -> ()
      } else {
      }
      %not3A = arith.constant true
      %not3A_590 = arith.xori %ne3A_555, %not3A : i1
      %convert_element_type3A_591 = arith.extui %not3A_590 : i1 to i32
      %cond3A_592 = arith.constant 0 : i32
      %cond3A_593 = arith.cmpi ne, %convert_element_type3A_591, %cond3A_592 : i32
      scf.if %cond3A_593 {
        %scan3A_594 = arith.constant 0 : i32
        %scan3A_595 = arith.constant 25 : i32
        %scan3A_596 = arith.addi %scan3A_594, %scan3A_595 : i32
        %scan3A_597 = arith.constant 1 : i32
        %scan3A_598:8 = scf.for %scan3A_624 = %scan3A_594 to %scan3A_596 step %scan3A_597 iter_args(%scan3A_625 = %broadcast_in_dim3A_3, %scan3A_626 = %broadcast_in_dim3A_3, %scan3A_627 = %broadcast_in_dim3A_3, %scan3A_628 = %broadcast_in_dim3A_3, %scan3A_629 = %broadcast_in_dim3A_3, %scan3A_630 = %broadcast_in_dim3A_3, %scan3A_631 = %broadcast_in_dim3A_3, %scan3A_632 = %broadcast_in_dim3A_3) -> (vector<16xf32>, vector<16xf32>, vector<16xf32>, vector<16xf32>, vector<16xf32>, vector<16xf32>, vector<16xf32>, vector<16xf32>)  : i32 {
          %mul3A_633 = arith.constant 5 : i32
          %mul3A_634 = arith.muli %scan3A_624, %mul3A_633 : i32
          %add3A_635 = arith.constant 0 : i32
          %add3A_636 = arith.addi %mul3A_634, %add3A_635 : i32
          %get3A_637 = arith.constant 0 : i32
          %get3A_638 = arith.constant 0 : i32
          %get3A_639 = tpu.memref_slice %arg8[%select_n3A_495, %get3A_637, %get3A_638] : memref<6x125x128xf32, #tpu.memory_space<vmem>> -> memref<1x125x128xf32, #tpu.memory_space<vmem>>
          %get3A_640 = tpu.memref_squeeze %get3A_639 : memref<1x125x128xf32, #tpu.memory_space<vmem>> -> memref<125x128xf32, #tpu.memory_space<vmem>>
          %get3A_641 = arith.index_cast %add3A_636 : i32 to index
          %get3A_642 = arith.constant 0 : index
          %get3A_643 = tpu.vector_load %get3A_640[%get3A_641, %get3A_642] {strides = array<i32>} : memref<125x128xf32, #tpu.memory_space<vmem>>, vector<16xf32>,
          %add3A_644 = arith.addf %scan3A_625, %get3A_643 : vector<16xf32>
          %get3A_645 = arith.constant 0 : i32
          %get3A_646 = arith.constant 0 : i32
          %get3A_647 = tpu.memref_slice %arg8[%select_n3A_495, %get3A_645, %get3A_646] : memref<6x125x128xf32, #tpu.memory_space<vmem>> -> memref<1x125x128xf32, #tpu.memory_space<vmem>>
          %get3A_648 = tpu.memref_squeeze %get3A_647 : memref<1x125x128xf32, #tpu.memory_space<vmem>> -> memref<125x128xf32, #tpu.memory_space<vmem>>
          %get3A_649 = arith.index_cast %add3A_636 : i32 to index
          %get3A_650 = arith.constant 16 : index
          %get3A_651 = tpu.vector_load %get3A_648[%get3A_649, %get3A_650] {strides = array<i32>} : memref<125x128xf32, #tpu.memory_space<vmem>>, vector<16xf32>,
          %add3A_652 = arith.addf %scan3A_626, %get3A_651 : vector<16xf32>
          %get3A_653 = arith.constant 0 : i32
          %get3A_654 = arith.constant 0 : i32
          %get3A_655 = tpu.memref_slice %arg8[%select_n3A_495, %get3A_653, %get3A_654] : memref<6x125x128xf32, #tpu.memory_space<vmem>> -> memref<1x125x128xf32, #tpu.memory_space<vmem>>
          %get3A_656 = tpu.memref_squeeze %get3A_655 : memref<1x125x128xf32, #tpu.memory_space<vmem>> -> memref<125x128xf32, #tpu.memory_space<vmem>>
          %get3A_657 = arith.index_cast %add3A_636 : i32 to index
          %get3A_658 = arith.constant 32 : index
          %get3A_659 = tpu.vector_load %get3A_656[%get3A_657, %get3A_658] {strides = array<i32>} : memref<125x128xf32, #tpu.memory_space<vmem>>, vector<16xf32>,
          %add3A_660 = arith.addf %scan3A_627, %get3A_659 : vector<16xf32>
          %get3A_661 = arith.constant 0 : i32
          %get3A_662 = arith.constant 0 : i32
          %get3A_663 = tpu.memref_slice %arg8[%select_n3A_495, %get3A_661, %get3A_662] : memref<6x125x128xf32, #tpu.memory_space<vmem>> -> memref<1x125x128xf32, #tpu.memory_space<vmem>>
          %get3A_664 = tpu.memref_squeeze %get3A_663 : memref<1x125x128xf32, #tpu.memory_space<vmem>> -> memref<125x128xf32, #tpu.memory_space<vmem>>
          %get3A_665 = arith.index_cast %add3A_636 : i32 to index
          %get3A_666 = arith.constant 48 : index
          %get3A_667 = tpu.vector_load %get3A_664[%get3A_665, %get3A_666] {strides = array<i32>} : memref<125x128xf32, #tpu.memory_space<vmem>>, vector<16xf32>,
          %add3A_668 = arith.addf %scan3A_628, %get3A_667 : vector<16xf32>
          %get3A_669 = arith.constant 0 : i32
          %get3A_670 = arith.constant 0 : i32
          %get3A_671 = tpu.memref_slice %arg8[%select_n3A_495, %get3A_669, %get3A_670] : memref<6x125x128xf32, #tpu.memory_space<vmem>> -> memref<1x125x128xf32, #tpu.memory_space<vmem>>
          %get3A_672 = tpu.memref_squeeze %get3A_671 : memref<1x125x128xf32, #tpu.memory_space<vmem>> -> memref<125x128xf32, #tpu.memory_space<vmem>>
          %get3A_673 = arith.index_cast %add3A_636 : i32 to index
          %get3A_674 = arith.constant 64 : index
          %get3A_675 = tpu.vector_load %get3A_672[%get3A_673, %get3A_674] {strides = array<i32>} : memref<125x128xf32, #tpu.memory_space<vmem>>, vector<16xf32>,
          %add3A_676 = arith.addf %scan3A_629, %get3A_675 : vector<16xf32>
          %get3A_677 = arith.constant 0 : i32
          %get3A_678 = arith.constant 0 : i32
          %get3A_679 = tpu.memref_slice %arg8[%select_n3A_495, %get3A_677, %get3A_678] : memref<6x125x128xf32, #tpu.memory_space<vmem>> -> memref<1x125x128xf32, #tpu.memory_space<vmem>>
          %get3A_680 = tpu.memref_squeeze %get3A_679 : memref<1x125x128xf32, #tpu.memory_space<vmem>> -> memref<125x128xf32, #tpu.memory_space<vmem>>
          %get3A_681 = arith.index_cast %add3A_636 : i32 to index
          %get3A_682 = arith.constant 80 : index
          %get3A_683 = tpu.vector_load %get3A_680[%get3A_681, %get3A_682] {strides = array<i32>} : memref<125x128xf32, #tpu.memory_space<vmem>>, vector<16xf32>,
          %add3A_684 = arith.addf %scan3A_630, %get3A_683 : vector<16xf32>
          %get3A_685 = arith.constant 0 : i32
          %get3A_686 = arith.constant 0 : i32
          %get3A_687 = tpu.memref_slice %arg8[%select_n3A_495, %get3A_685, %get3A_686] : memref<6x125x128xf32, #tpu.memory_space<vmem>> -> memref<1x125x128xf32, #tpu.memory_space<vmem>>
          %get3A_688 = tpu.memref_squeeze %get3A_687 : memref<1x125x128xf32, #tpu.memory_space<vmem>> -> memref<125x128xf32, #tpu.memory_space<vmem>>
          %get3A_689 = arith.index_cast %add3A_636 : i32 to index
          %get3A_690 = arith.constant 96 : index
          %get3A_691 = tpu.vector_load %get3A_688[%get3A_689, %get3A_690] {strides = array<i32>} : memref<125x128xf32, #tpu.memory_space<vmem>>, vector<16xf32>,
          %add3A_692 = arith.addf %scan3A_631, %get3A_691 : vector<16xf32>
          %get3A_693 = arith.constant 0 : i32
          %get3A_694 = arith.constant 0 : i32
          %get3A_695 = tpu.memref_slice %arg8[%select_n3A_495, %get3A_693, %get3A_694] : memref<6x125x128xf32, #tpu.memory_space<vmem>> -> memref<1x125x128xf32, #tpu.memory_space<vmem>>
          %get3A_696 = tpu.memref_squeeze %get3A_695 : memref<1x125x128xf32, #tpu.memory_space<vmem>> -> memref<125x128xf32, #tpu.memory_space<vmem>>
          %get3A_697 = arith.index_cast %add3A_636 : i32 to index
          %get3A_698 = arith.constant 112 : index
          %get3A_699 = tpu.vector_load %get3A_696[%get3A_697, %get3A_698] {strides = array<i32>} : memref<125x128xf32, #tpu.memory_space<vmem>>, vector<16xf32>,
          %add3A_700 = arith.addf %scan3A_632, %get3A_699 : vector<16xf32>
          %mul3A_701 = arith.constant 5 : i32
          %mul3A_702 = arith.muli %scan3A_624, %mul3A_701 : i32
          %add3A_703 = arith.constant 1 : i32
          %add3A_704 = arith.addi %mul3A_702, %add3A_703 : i32
          %get3A_705 = arith.constant 0 : i32
          %get3A_706 = arith.constant 0 : i32
          %get3A_707 = tpu.memref_slice %arg8[%select_n3A_495, %get3A_705, %get3A_706] : memref<6x125x128xf32, #tpu.memory_space<vmem>> -> memref<1x125x128xf32, #tpu.memory_space<vmem>>
          %get3A_708 = tpu.memref_squeeze %get3A_707 : memref<1x125x128xf32, #tpu.memory_space<vmem>> -> memref<125x128xf32, #tpu.memory_space<vmem>>
          %get3A_709 = arith.index_cast %add3A_704 : i32 to index
          %get3A_710 = arith.constant 0 : index
          %get3A_711 = tpu.vector_load %get3A_708[%get3A_709, %get3A_710] {strides = array<i32>} : memref<125x128xf32, #tpu.memory_space<vmem>>, vector<16xf32>,
          %add3A_712 = arith.addf %add3A_644, %get3A_711 : vector<16xf32>
          %get3A_713 = arith.constant 0 : i32
          %get3A_714 = arith.constant 0 : i32
          %get3A_715 = tpu.memref_slice %arg8[%select_n3A_495, %get3A_713, %get3A_714] : memref<6x125x128xf32, #tpu.memory_space<vmem>> -> memref<1x125x128xf32, #tpu.memory_space<vmem>>
          %get3A_716 = tpu.memref_squeeze %get3A_715 : memref<1x125x128xf32, #tpu.memory_space<vmem>> -> memref<125x128xf32, #tpu.memory_space<vmem>>
          %get3A_717 = arith.index_cast %add3A_704 : i32 to index
          %get3A_718 = arith.constant 16 : index
          %get3A_719 = tpu.vector_load %get3A_716[%get3A_717, %get3A_718] {strides = array<i32>} : memref<125x128xf32, #tpu.memory_space<vmem>>, vector<16xf32>,
          %add3A_720 = arith.addf %add3A_652, %get3A_719 : vector<16xf32>
          %get3A_721 = arith.constant 0 : i32
          %get3A_722 = arith.constant 0 : i32
          %get3A_723 = tpu.memref_slice %arg8[%select_n3A_495, %get3A_721, %get3A_722] : memref<6x125x128xf32, #tpu.memory_space<vmem>> -> memref<1x125x128xf32, #tpu.memory_space<vmem>>
          %get3A_724 = tpu.memref_squeeze %get3A_723 : memref<1x125x128xf32, #tpu.memory_space<vmem>> -> memref<125x128xf32, #tpu.memory_space<vmem>>
          %get3A_725 = arith.index_cast %add3A_704 : i32 to index
          %get3A_726 = arith.constant 32 : index
          %get3A_727 = tpu.vector_load %get3A_724[%get3A_725, %get3A_726] {strides = array<i32>} : memref<125x128xf32, #tpu.memory_space<vmem>>, vector<16xf32>,
          %add3A_728 = arith.addf %add3A_660, %get3A_727 : vector<16xf32>
          %get3A_729 = arith.constant 0 : i32
          %get3A_730 = arith.constant 0 : i32
          %get3A_731 = tpu.memref_slice %arg8[%select_n3A_495, %get3A_729, %get3A_730] : memref<6x125x128xf32, #tpu.memory_space<vmem>> -> memref<1x125x128xf32, #tpu.memory_space<vmem>>
          %get3A_732 = tpu.memref_squeeze %get3A_731 : memref<1x125x128xf32, #tpu.memory_space<vmem>> -> memref<125x128xf32, #tpu.memory_space<vmem>>
          %get3A_733 = arith.index_cast %add3A_704 : i32 to index
          %get3A_734 = arith.constant 48 : index
          %get3A_735 = tpu.vector_load %get3A_732[%get3A_733, %get3A_734] {strides = array<i32>} : memref<125x128xf32, #tpu.memory_space<vmem>>, vector<16xf32>,
          %add3A_736 = arith.addf %add3A_668, %get3A_735 : vector<16xf32>
          %get3A_737 = arith.constant 0 : i32
          %get3A_738 = arith.constant 0 : i32
          %get3A_739 = tpu.memref_slice %arg8[%select_n3A_495, %get3A_737, %get3A_738] : memref<6x125x128xf32, #tpu.memory_space<vmem>> -> memref<1x125x128xf32, #tpu.memory_space<vmem>>
          %get3A_740 = tpu.memref_squeeze %get3A_739 : memref<1x125x128xf32, #tpu.memory_space<vmem>> -> memref<125x128xf32, #tpu.memory_space<vmem>>
          %get3A_741 = arith.index_cast %add3A_704 : i32 to index
          %get3A_742 = arith.constant 64 : index
          %get3A_743 = tpu.vector_load %get3A_740[%get3A_741, %get3A_742] {strides = array<i32>} : memref<125x128xf32, #tpu.memory_space<vmem>>, vector<16xf32>,
          %add3A_744 = arith.addf %add3A_676, %get3A_743 : vector<16xf32>
          %get3A_745 = arith.constant 0 : i32
          %get3A_746 = arith.constant 0 : i32
          %get3A_747 = tpu.memref_slice %arg8[%select_n3A_495, %get3A_745, %get3A_746] : memref<6x125x128xf32, #tpu.memory_space<vmem>> -> memref<1x125x128xf32, #tpu.memory_space<vmem>>
          %get3A_748 = tpu.memref_squeeze %get3A_747 : memref<1x125x128xf32, #tpu.memory_space<vmem>> -> memref<125x128xf32, #tpu.memory_space<vmem>>
          %get3A_749 = arith.index_cast %add3A_704 : i32 to index
          %get3A_750 = arith.constant 80 : index
          %get3A_751 = tpu.vector_load %get3A_748[%get3A_749, %get3A_750] {strides = array<i32>} : memref<125x128xf32, #tpu.memory_space<vmem>>, vector<16xf32>,
          %add3A_752 = arith.addf %add3A_684, %get3A_751 : vector<16xf32>
          %get3A_753 = arith.constant 0 : i32
          %get3A_754 = arith.constant 0 : i32
          %get3A_755 = tpu.memref_slice %arg8[%select_n3A_495, %get3A_753, %get3A_754] : memref<6x125x128xf32, #tpu.memory_space<vmem>> -> memref<1x125x128xf32, #tpu.memory_space<vmem>>
          %get3A_756 = tpu.memref_squeeze %get3A_755 : memref<1x125x128xf32, #tpu.memory_space<vmem>> -> memref<125x128xf32, #tpu.memory_space<vmem>>
          %get3A_757 = arith.index_cast %add3A_704 : i32 to index
          %get3A_758 = arith.constant 96 : index
          %get3A_759 = tpu.vector_load %get3A_756[%get3A_757, %get3A_758] {strides = array<i32>} : memref<125x128xf32, #tpu.memory_space<vmem>>, vector<16xf32>,
          %add3A_760 = arith.addf %add3A_692, %get3A_759 : vector<16xf32>
          %get3A_761 = arith.constant 0 : i32
          %get3A_762 = arith.constant 0 : i32
          %get3A_763 = tpu.memref_slice %arg8[%select_n3A_495, %get3A_761, %get3A_762] : memref<6x125x128xf32, #tpu.memory_space<vmem>> -> memref<1x125x128xf32, #tpu.memory_space<vmem>>
          %get3A_764 = tpu.memref_squeeze %get3A_763 : memref<1x125x128xf32, #tpu.memory_space<vmem>> -> memref<125x128xf32, #tpu.memory_space<vmem>>
          %get3A_765 = arith.index_cast %add3A_704 : i32 to index
          %get3A_766 = arith.constant 112 : index
          %get3A_767 = tpu.vector_load %get3A_764[%get3A_765, %get3A_766] {strides = array<i32>} : memref<125x128xf32, #tpu.memory_space<vmem>>, vector<16xf32>,
          %add3A_768 = arith.addf %add3A_700, %get3A_767 : vector<16xf32>
          %mul3A_769 = arith.constant 5 : i32
          %mul3A_770 = arith.muli %scan3A_624, %mul3A_769 : i32
          %add3A_771 = arith.constant 2 : i32
          %add3A_772 = arith.addi %mul3A_770, %add3A_771 : i32
          %get3A_773 = arith.constant 0 : i32
          %get3A_774 = arith.constant 0 : i32
          %get3A_775 = tpu.memref_slice %arg8[%select_n3A_495, %get3A_773, %get3A_774] : memref<6x125x128xf32, #tpu.memory_space<vmem>> -> memref<1x125x128xf32, #tpu.memory_space<vmem>>
          %get3A_776 = tpu.memref_squeeze %get3A_775 : memref<1x125x128xf32, #tpu.memory_space<vmem>> -> memref<125x128xf32, #tpu.memory_space<vmem>>
          %get3A_777 = arith.index_cast %add3A_772 : i32 to index
          %get3A_778 = arith.constant 0 : index
          %get3A_779 = tpu.vector_load %get3A_776[%get3A_777, %get3A_778] {strides = array<i32>} : memref<125x128xf32, #tpu.memory_space<vmem>>, vector<16xf32>,
          %add3A_780 = arith.addf %add3A_712, %get3A_779 : vector<16xf32>
          %get3A_781 = arith.constant 0 : i32
          %get3A_782 = arith.constant 0 : i32
          %get3A_783 = tpu.memref_slice %arg8[%select_n3A_495, %get3A_781, %get3A_782] : memref<6x125x128xf32, #tpu.memory_space<vmem>> -> memref<1x125x128xf32, #tpu.memory_space<vmem>>
          %get3A_784 = tpu.memref_squeeze %get3A_783 : memref<1x125x128xf32, #tpu.memory_space<vmem>> -> memref<125x128xf32, #tpu.memory_space<vmem>>
          %get3A_785 = arith.index_cast %add3A_772 : i32 to index
          %get3A_786 = arith.constant 16 : index
          %get3A_787 = tpu.vector_load %get3A_784[%get3A_785, %get3A_786] {strides = array<i32>} : memref<125x128xf32, #tpu.memory_space<vmem>>, vector<16xf32>,
          %add3A_788 = arith.addf %add3A_720, %get3A_787 : vector<16xf32>
          %get3A_789 = arith.constant 0 : i32
          %get3A_790 = arith.constant 0 : i32
          %get3A_791 = tpu.memref_slice %arg8[%select_n3A_495, %get3A_789, %get3A_790] : memref<6x125x128xf32, #tpu.memory_space<vmem>> -> memref<1x125x128xf32, #tpu.memory_space<vmem>>
          %get3A_792 = tpu.memref_squeeze %get3A_791 : memref<1x125x128xf32, #tpu.memory_space<vmem>> -> memref<125x128xf32, #tpu.memory_space<vmem>>
          %get3A_793 = arith.index_cast %add3A_772 : i32 to index
          %get3A_794 = arith.constant 32 : index
          %get3A_795 = tpu.vector_load %get3A_792[%get3A_793, %get3A_794] {strides = array<i32>} : memref<125x128xf32, #tpu.memory_space<vmem>>, vector<16xf32>,
          %add3A_796 = arith.addf %add3A_728, %get3A_795 : vector<16xf32>
          %get3A_797 = arith.constant 0 : i32
          %get3A_798 = arith.constant 0 : i32
          %get3A_799 = tpu.memref_slice %arg8[%select_n3A_495, %get3A_797, %get3A_798] : memref<6x125x128xf32, #tpu.memory_space<vmem>> -> memref<1x125x128xf32, #tpu.memory_space<vmem>>
          %get3A_800 = tpu.memref_squeeze %get3A_799 : memref<1x125x128xf32, #tpu.memory_space<vmem>> -> memref<125x128xf32, #tpu.memory_space<vmem>>
          %get3A_801 = arith.index_cast %add3A_772 : i32 to index
          %get3A_802 = arith.constant 48 : index
          %get3A_803 = tpu.vector_load %get3A_800[%get3A_801, %get3A_802] {strides = array<i32>} : memref<125x128xf32, #tpu.memory_space<vmem>>, vector<16xf32>,
          %add3A_804 = arith.addf %add3A_736, %get3A_803 : vector<16xf32>
          %get3A_805 = arith.constant 0 : i32
          %get3A_806 = arith.constant 0 : i32
          %get3A_807 = tpu.memref_slice %arg8[%select_n3A_495, %get3A_805, %get3A_806] : memref<6x125x128xf32, #tpu.memory_space<vmem>> -> memref<1x125x128xf32, #tpu.memory_space<vmem>>
          %get3A_808 = tpu.memref_squeeze %get3A_807 : memref<1x125x128xf32, #tpu.memory_space<vmem>> -> memref<125x128xf32, #tpu.memory_space<vmem>>
          %get3A_809 = arith.index_cast %add3A_772 : i32 to index
          %get3A_810 = arith.constant 64 : index
          %get3A_811 = tpu.vector_load %get3A_808[%get3A_809, %get3A_810] {strides = array<i32>} : memref<125x128xf32, #tpu.memory_space<vmem>>, vector<16xf32>,
          %add3A_812 = arith.addf %add3A_744, %get3A_811 : vector<16xf32>
          %get3A_813 = arith.constant 0 : i32
          %get3A_814 = arith.constant 0 : i32
          %get3A_815 = tpu.memref_slice %arg8[%select_n3A_495, %get3A_813, %get3A_814] : memref<6x125x128xf32, #tpu.memory_space<vmem>> -> memref<1x125x128xf32, #tpu.memory_space<vmem>>
          %get3A_816 = tpu.memref_squeeze %get3A_815 : memref<1x125x128xf32, #tpu.memory_space<vmem>> -> memref<125x128xf32, #tpu.memory_space<vmem>>
          %get3A_817 = arith.index_cast %add3A_772 : i32 to index
          %get3A_818 = arith.constant 80 : index
          %get3A_819 = tpu.vector_load %get3A_816[%get3A_817, %get3A_818] {strides = array<i32>} : memref<125x128xf32, #tpu.memory_space<vmem>>, vector<16xf32>,
          %add3A_820 = arith.addf %add3A_752, %get3A_819 : vector<16xf32>
          %get3A_821 = arith.constant 0 : i32
          %get3A_822 = arith.constant 0 : i32
          %get3A_823 = tpu.memref_slice %arg8[%select_n3A_495, %get3A_821, %get3A_822] : memref<6x125x128xf32, #tpu.memory_space<vmem>> -> memref<1x125x128xf32, #tpu.memory_space<vmem>>
          %get3A_824 = tpu.memref_squeeze %get3A_823 : memref<1x125x128xf32, #tpu.memory_space<vmem>> -> memref<125x128xf32, #tpu.memory_space<vmem>>
          %get3A_825 = arith.index_cast %add3A_772 : i32 to index
          %get3A_826 = arith.constant 96 : index
          %get3A_827 = tpu.vector_load %get3A_824[%get3A_825, %get3A_826] {strides = array<i32>} : memref<125x128xf32, #tpu.memory_space<vmem>>, vector<16xf32>,
          %add3A_828 = arith.addf %add3A_760, %get3A_827 : vector<16xf32>
          %get3A_829 = arith.constant 0 : i32
          %get3A_830 = arith.constant 0 : i32
          %get3A_831 = tpu.memref_slice %arg8[%select_n3A_495, %get3A_829, %get3A_830] : memref<6x125x128xf32, #tpu.memory_space<vmem>> -> memref<1x125x128xf32, #tpu.memory_space<vmem>>
          %get3A_832 = tpu.memref_squeeze %get3A_831 : memref<1x125x128xf32, #tpu.memory_space<vmem>> -> memref<125x128xf32, #tpu.memory_space<vmem>>
          %get3A_833 = arith.index_cast %add3A_772 : i32 to index
          %get3A_834 = arith.constant 112 : index
          %get3A_835 = tpu.vector_load %get3A_832[%get3A_833, %get3A_834] {strides = array<i32>} : memref<125x128xf32, #tpu.memory_space<vmem>>, vector<16xf32>,
          %add3A_836 = arith.addf %add3A_768, %get3A_835 : vector<16xf32>
          %mul3A_837 = arith.constant 5 : i32
          %mul3A_838 = arith.muli %scan3A_624, %mul3A_837 : i32
          %add3A_839 = arith.constant 3 : i32
          %add3A_840 = arith.addi %mul3A_838, %add3A_839 : i32
          %get3A_841 = arith.constant 0 : i32
          %get3A_842 = arith.constant 0 : i32
          %get3A_843 = tpu.memref_slice %arg8[%select_n3A_495, %get3A_841, %get3A_842] : memref<6x125x128xf32, #tpu.memory_space<vmem>> -> memref<1x125x128xf32, #tpu.memory_space<vmem>>
          %get3A_844 = tpu.memref_squeeze %get3A_843 : memref<1x125x128xf32, #tpu.memory_space<vmem>> -> memref<125x128xf32, #tpu.memory_space<vmem>>
          %get3A_845 = arith.index_cast %add3A_840 : i32 to index
          %get3A_846 = arith.constant 0 : index
          %get3A_847 = tpu.vector_load %get3A_844[%get3A_845, %get3A_846] {strides = array<i32>} : memref<125x128xf32, #tpu.memory_space<vmem>>, vector<16xf32>,
          %add3A_848 = arith.addf %add3A_780, %get3A_847 : vector<16xf32>
          %get3A_849 = arith.constant 0 : i32
          %get3A_850 = arith.constant 0 : i32
          %get3A_851 = tpu.memref_slice %arg8[%select_n3A_495, %get3A_849, %get3A_850] : memref<6x125x128xf32, #tpu.memory_space<vmem>> -> memref<1x125x128xf32, #tpu.memory_space<vmem>>
          %get3A_852 = tpu.memref_squeeze %get3A_851 : memref<1x125x128xf32, #tpu.memory_space<vmem>> -> memref<125x128xf32, #tpu.memory_space<vmem>>
          %get3A_853 = arith.index_cast %add3A_840 : i32 to index
          %get3A_854 = arith.constant 16 : index
          %get3A_855 = tpu.vector_load %get3A_852[%get3A_853, %get3A_854] {strides = array<i32>} : memref<125x128xf32, #tpu.memory_space<vmem>>, vector<16xf32>,
          %add3A_856 = arith.addf %add3A_788, %get3A_855 : vector<16xf32>
          %get3A_857 = arith.constant 0 : i32
          %get3A_858 = arith.constant 0 : i32
          %get3A_859 = tpu.memref_slice %arg8[%select_n3A_495, %get3A_857, %get3A_858] : memref<6x125x128xf32, #tpu.memory_space<vmem>> -> memref<1x125x128xf32, #tpu.memory_space<vmem>>
          %get3A_860 = tpu.memref_squeeze %get3A_859 : memref<1x125x128xf32, #tpu.memory_space<vmem>> -> memref<125x128xf32, #tpu.memory_space<vmem>>
          %get3A_861 = arith.index_cast %add3A_840 : i32 to index
          %get3A_862 = arith.constant 32 : index
          %get3A_863 = tpu.vector_load %get3A_860[%get3A_861, %get3A_862] {strides = array<i32>} : memref<125x128xf32, #tpu.memory_space<vmem>>, vector<16xf32>,
          %add3A_864 = arith.addf %add3A_796, %get3A_863 : vector<16xf32>
          %get3A_865 = arith.constant 0 : i32
          %get3A_866 = arith.constant 0 : i32
          %get3A_867 = tpu.memref_slice %arg8[%select_n3A_495, %get3A_865, %get3A_866] : memref<6x125x128xf32, #tpu.memory_space<vmem>> -> memref<1x125x128xf32, #tpu.memory_space<vmem>>
          %get3A_868 = tpu.memref_squeeze %get3A_867 : memref<1x125x128xf32, #tpu.memory_space<vmem>> -> memref<125x128xf32, #tpu.memory_space<vmem>>
          %get3A_869 = arith.index_cast %add3A_840 : i32 to index
          %get3A_870 = arith.constant 48 : index
          %get3A_871 = tpu.vector_load %get3A_868[%get3A_869, %get3A_870] {strides = array<i32>} : memref<125x128xf32, #tpu.memory_space<vmem>>, vector<16xf32>,
          %add3A_872 = arith.addf %add3A_804, %get3A_871 : vector<16xf32>
          %get3A_873 = arith.constant 0 : i32
          %get3A_874 = arith.constant 0 : i32
          %get3A_875 = tpu.memref_slice %arg8[%select_n3A_495, %get3A_873, %get3A_874] : memref<6x125x128xf32, #tpu.memory_space<vmem>> -> memref<1x125x128xf32, #tpu.memory_space<vmem>>
          %get3A_876 = tpu.memref_squeeze %get3A_875 : memref<1x125x128xf32, #tpu.memory_space<vmem>> -> memref<125x128xf32, #tpu.memory_space<vmem>>
          %get3A_877 = arith.index_cast %add3A_840 : i32 to index
          %get3A_878 = arith.constant 64 : index
          %get3A_879 = tpu.vector_load %get3A_876[%get3A_877, %get3A_878] {strides = array<i32>} : memref<125x128xf32, #tpu.memory_space<vmem>>, vector<16xf32>,
          %add3A_880 = arith.addf %add3A_812, %get3A_879 : vector<16xf32>
          %get3A_881 = arith.constant 0 : i32
          %get3A_882 = arith.constant 0 : i32
          %get3A_883 = tpu.memref_slice %arg8[%select_n3A_495, %get3A_881, %get3A_882] : memref<6x125x128xf32, #tpu.memory_space<vmem>> -> memref<1x125x128xf32, #tpu.memory_space<vmem>>
          %get3A_884 = tpu.memref_squeeze %get3A_883 : memref<1x125x128xf32, #tpu.memory_space<vmem>> -> memref<125x128xf32, #tpu.memory_space<vmem>>
          %get3A_885 = arith.index_cast %add3A_840 : i32 to index
          %get3A_886 = arith.constant 80 : index
          %get3A_887 = tpu.vector_load %get3A_884[%get3A_885, %get3A_886] {strides = array<i32>} : memref<125x128xf32, #tpu.memory_space<vmem>>, vector<16xf32>,
          %add3A_888 = arith.addf %add3A_820, %get3A_887 : vector<16xf32>
          %get3A_889 = arith.constant 0 : i32
          %get3A_890 = arith.constant 0 : i32
          %get3A_891 = tpu.memref_slice %arg8[%select_n3A_495, %get3A_889, %get3A_890] : memref<6x125x128xf32, #tpu.memory_space<vmem>> -> memref<1x125x128xf32, #tpu.memory_space<vmem>>
          %get3A_892 = tpu.memref_squeeze %get3A_891 : memref<1x125x128xf32, #tpu.memory_space<vmem>> -> memref<125x128xf32, #tpu.memory_space<vmem>>
          %get3A_893 = arith.index_cast %add3A_840 : i32 to index
          %get3A_894 = arith.constant 96 : index
          %get3A_895 = tpu.vector_load %get3A_892[%get3A_893, %get3A_894] {strides = array<i32>} : memref<125x128xf32, #tpu.memory_space<vmem>>, vector<16xf32>,
          %add3A_896 = arith.addf %add3A_828, %get3A_895 : vector<16xf32>
          %get3A_897 = arith.constant 0 : i32
          %get3A_898 = arith.constant 0 : i32
          %get3A_899 = tpu.memref_slice %arg8[%select_n3A_495, %get3A_897, %get3A_898] : memref<6x125x128xf32, #tpu.memory_space<vmem>> -> memref<1x125x128xf32, #tpu.memory_space<vmem>>
          %get3A_900 = tpu.memref_squeeze %get3A_899 : memref<1x125x128xf32, #tpu.memory_space<vmem>> -> memref<125x128xf32, #tpu.memory_space<vmem>>
          %get3A_901 = arith.index_cast %add3A_840 : i32 to index
          %get3A_902 = arith.constant 112 : index
          %get3A_903 = tpu.vector_load %get3A_900[%get3A_901, %get3A_902] {strides = array<i32>} : memref<125x128xf32, #tpu.memory_space<vmem>>, vector<16xf32>,
          %add3A_904 = arith.addf %add3A_836, %get3A_903 : vector<16xf32>
          %mul3A_905 = arith.constant 5 : i32
          %mul3A_906 = arith.muli %scan3A_624, %mul3A_905 : i32
          %add3A_907 = arith.constant 4 : i32
          %add3A_908 = arith.addi %mul3A_906, %add3A_907 : i32
          %get3A_909 = arith.constant 0 : i32
          %get3A_910 = arith.constant 0 : i32
          %get3A_911 = tpu.memref_slice %arg8[%select_n3A_495, %get3A_909, %get3A_910] : memref<6x125x128xf32, #tpu.memory_space<vmem>> -> memref<1x125x128xf32, #tpu.memory_space<vmem>>
          %get3A_912 = tpu.memref_squeeze %get3A_911 : memref<1x125x128xf32, #tpu.memory_space<vmem>> -> memref<125x128xf32, #tpu.memory_space<vmem>>
          %get3A_913 = arith.index_cast %add3A_908 : i32 to index
          %get3A_914 = arith.constant 0 : index
          %get3A_915 = tpu.vector_load %get3A_912[%get3A_913, %get3A_914] {strides = array<i32>} : memref<125x128xf32, #tpu.memory_space<vmem>>, vector<16xf32>,
          %add3A_916 = arith.addf %add3A_848, %get3A_915 : vector<16xf32>
          %get3A_917 = arith.constant 0 : i32
          %get3A_918 = arith.constant 0 : i32
          %get3A_919 = tpu.memref_slice %arg8[%select_n3A_495, %get3A_917, %get3A_918] : memref<6x125x128xf32, #tpu.memory_space<vmem>> -> memref<1x125x128xf32, #tpu.memory_space<vmem>>
          %get3A_920 = tpu.memref_squeeze %get3A_919 : memref<1x125x128xf32, #tpu.memory_space<vmem>> -> memref<125x128xf32, #tpu.memory_space<vmem>>
          %get3A_921 = arith.index_cast %add3A_908 : i32 to index
          %get3A_922 = arith.constant 16 : index
          %get3A_923 = tpu.vector_load %get3A_920[%get3A_921, %get3A_922] {strides = array<i32>} : memref<125x128xf32, #tpu.memory_space<vmem>>, vector<16xf32>,
          %add3A_924 = arith.addf %add3A_856, %get3A_923 : vector<16xf32>
          %get3A_925 = arith.constant 0 : i32
          %get3A_926 = arith.constant 0 : i32
          %get3A_927 = tpu.memref_slice %arg8[%select_n3A_495, %get3A_925, %get3A_926] : memref<6x125x128xf32, #tpu.memory_space<vmem>> -> memref<1x125x128xf32, #tpu.memory_space<vmem>>
          %get3A_928 = tpu.memref_squeeze %get3A_927 : memref<1x125x128xf32, #tpu.memory_space<vmem>> -> memref<125x128xf32, #tpu.memory_space<vmem>>
          %get3A_929 = arith.index_cast %add3A_908 : i32 to index
          %get3A_930 = arith.constant 32 : index
          %get3A_931 = tpu.vector_load %get3A_928[%get3A_929, %get3A_930] {strides = array<i32>} : memref<125x128xf32, #tpu.memory_space<vmem>>, vector<16xf32>,
          %add3A_932 = arith.addf %add3A_864, %get3A_931 : vector<16xf32>
          %get3A_933 = arith.constant 0 : i32
          %get3A_934 = arith.constant 0 : i32
          %get3A_935 = tpu.memref_slice %arg8[%select_n3A_495, %get3A_933, %get3A_934] : memref<6x125x128xf32, #tpu.memory_space<vmem>> -> memref<1x125x128xf32, #tpu.memory_space<vmem>>
          %get3A_936 = tpu.memref_squeeze %get3A_935 : memref<1x125x128xf32, #tpu.memory_space<vmem>> -> memref<125x128xf32, #tpu.memory_space<vmem>>
          %get3A_937 = arith.index_cast %add3A_908 : i32 to index
          %get3A_938 = arith.constant 48 : index
          %get3A_939 = tpu.vector_load %get3A_936[%get3A_937, %get3A_938] {strides = array<i32>} : memref<125x128xf32, #tpu.memory_space<vmem>>, vector<16xf32>,
          %add3A_940 = arith.addf %add3A_872, %get3A_939 : vector<16xf32>
          %get3A_941 = arith.constant 0 : i32
          %get3A_942 = arith.constant 0 : i32
          %get3A_943 = tpu.memref_slice %arg8[%select_n3A_495, %get3A_941, %get3A_942] : memref<6x125x128xf32, #tpu.memory_space<vmem>> -> memref<1x125x128xf32, #tpu.memory_space<vmem>>
          %get3A_944 = tpu.memref_squeeze %get3A_943 : memref<1x125x128xf32, #tpu.memory_space<vmem>> -> memref<125x128xf32, #tpu.memory_space<vmem>>
          %get3A_945 = arith.index_cast %add3A_908 : i32 to index
          %get3A_946 = arith.constant 64 : index
          %get3A_947 = tpu.vector_load %get3A_944[%get3A_945, %get3A_946] {strides = array<i32>} : memref<125x128xf32, #tpu.memory_space<vmem>>, vector<16xf32>,
          %add3A_948 = arith.addf %add3A_880, %get3A_947 : vector<16xf32>
          %get3A_949 = arith.constant 0 : i32
          %get3A_950 = arith.constant 0 : i32
          %get3A_951 = tpu.memref_slice %arg8[%select_n3A_495, %get3A_949, %get3A_950] : memref<6x125x128xf32, #tpu.memory_space<vmem>> -> memref<1x125x128xf32, #tpu.memory_space<vmem>>
          %get3A_952 = tpu.memref_squeeze %get3A_951 : memref<1x125x128xf32, #tpu.memory_space<vmem>> -> memref<125x128xf32, #tpu.memory_space<vmem>>
          %get3A_953 = arith.index_cast %add3A_908 : i32 to index
          %get3A_954 = arith.constant 80 : index
          %get3A_955 = tpu.vector_load %get3A_952[%get3A_953, %get3A_954] {strides = array<i32>} : memref<125x128xf32, #tpu.memory_space<vmem>>, vector<16xf32>,
          %add3A_956 = arith.addf %add3A_888, %get3A_955 : vector<16xf32>
          %get3A_957 = arith.constant 0 : i32
          %get3A_958 = arith.constant 0 : i32
          %get3A_959 = tpu.memref_slice %arg8[%select_n3A_495, %get3A_957, %get3A_958] : memref<6x125x128xf32, #tpu.memory_space<vmem>> -> memref<1x125x128xf32, #tpu.memory_space<vmem>>
          %get3A_960 = tpu.memref_squeeze %get3A_959 : memref<1x125x128xf32, #tpu.memory_space<vmem>> -> memref<125x128xf32, #tpu.memory_space<vmem>>
          %get3A_961 = arith.index_cast %add3A_908 : i32 to index
          %get3A_962 = arith.constant 96 : index
          %get3A_963 = tpu.vector_load %get3A_960[%get3A_961, %get3A_962] {strides = array<i32>} : memref<125x128xf32, #tpu.memory_space<vmem>>, vector<16xf32>,
          %add3A_964 = arith.addf %add3A_896, %get3A_963 : vector<16xf32>
          %get3A_965 = arith.constant 0 : i32
          %get3A_966 = arith.constant 0 : i32
          %get3A_967 = tpu.memref_slice %arg8[%select_n3A_495, %get3A_965, %get3A_966] : memref<6x125x128xf32, #tpu.memory_space<vmem>> -> memref<1x125x128xf32, #tpu.memory_space<vmem>>
          %get3A_968 = tpu.memref_squeeze %get3A_967 : memref<1x125x128xf32, #tpu.memory_space<vmem>> -> memref<125x128xf32, #tpu.memory_space<vmem>>
          %get3A_969 = arith.index_cast %add3A_908 : i32 to index
          %get3A_970 = arith.constant 112 : index
          %get3A_971 = tpu.vector_load %get3A_968[%get3A_969, %get3A_970] {strides = array<i32>} : memref<125x128xf32, #tpu.memory_space<vmem>>, vector<16xf32>,
          %add3A_972 = arith.addf %add3A_904, %get3A_971 : vector<16xf32>
          scf.yield %add3A_916, %add3A_924, %add3A_932, %add3A_940, %add3A_948, %add3A_956, %add3A_964, %add3A_972 : vector<16xf32>, vector<16xf32>, vector<16xf32>, vector<16xf32>, vector<16xf32>, vector<16xf32>, vector<16xf32>, vector<16xf32>
        }
        %scan3A_599 = arith.constant 25 : i32
        %swap3A_600 = arith.index_cast %scan3A_420 : i32 to index
        %swap3A_601 = arith.constant 0 : index
        %swap3A_602 = tpu.vector_load %arg10[%swap3A_600, %swap3A_601] {strides = array<i32>} : memref<32x128xf32, #tpu.memory_space<vmem>>, vector<16xf32>,
        tpu.vector_store %arg10[%swap3A_600, %swap3A_601], %scan3A_598#0 {strides = array<i32>} : memref<32x128xf32, #tpu.memory_space<vmem>>, vector<16xf32>,
        %swap3A_603 = arith.index_cast %scan3A_420 : i32 to index
        %swap3A_604 = arith.constant 16 : index
        %swap3A_605 = tpu.vector_load %arg10[%swap3A_603, %swap3A_604] {strides = array<i32>} : memref<32x128xf32, #tpu.memory_space<vmem>>, vector<16xf32>,
        tpu.vector_store %arg10[%swap3A_603, %swap3A_604], %scan3A_598#1 {strides = array<i32>} : memref<32x128xf32, #tpu.memory_space<vmem>>, vector<16xf32>,
        %swap3A_606 = arith.index_cast %scan3A_420 : i32 to index
        %swap3A_607 = arith.constant 32 : index
        %swap3A_608 = tpu.vector_load %arg10[%swap3A_606, %swap3A_607] {strides = array<i32>} : memref<32x128xf32, #tpu.memory_space<vmem>>, vector<16xf32>,
        tpu.vector_store %arg10[%swap3A_606, %swap3A_607], %scan3A_598#2 {strides = array<i32>} : memref<32x128xf32, #tpu.memory_space<vmem>>, vector<16xf32>,
        %swap3A_609 = arith.index_cast %scan3A_420 : i32 to index
        %swap3A_610 = arith.constant 48 : index
        %swap3A_611 = tpu.vector_load %arg10[%swap3A_609, %swap3A_610] {strides = array<i32>} : memref<32x128xf32, #tpu.memory_space<vmem>>, vector<16xf32>,
        tpu.vector_store %arg10[%swap3A_609, %swap3A_610], %scan3A_598#3 {strides = array<i32>} : memref<32x128xf32, #tpu.memory_space<vmem>>, vector<16xf32>,
        %swap3A_612 = arith.index_cast %scan3A_420 : i32 to index
        %swap3A_613 = arith.constant 64 : index
        %swap3A_614 = tpu.vector_load %arg10[%swap3A_612, %swap3A_613] {strides = array<i32>} : memref<32x128xf32, #tpu.memory_space<vmem>>, vector<16xf32>,
        tpu.vector_store %arg10[%swap3A_612, %swap3A_613], %scan3A_598#4 {strides = array<i32>} : memref<32x128xf32, #tpu.memory_space<vmem>>, vector<16xf32>,
        %swap3A_615 = arith.index_cast %scan3A_420 : i32 to index
        %swap3A_616 = arith.constant 80 : index
        %swap3A_617 = tpu.vector_load %arg10[%swap3A_615, %swap3A_616] {strides = array<i32>} : memref<32x128xf32, #tpu.memory_space<vmem>>, vector<16xf32>,
        tpu.vector_store %arg10[%swap3A_615, %swap3A_616], %scan3A_598#5 {strides = array<i32>} : memref<32x128xf32, #tpu.memory_space<vmem>>, vector<16xf32>,
        %swap3A_618 = arith.index_cast %scan3A_420 : i32 to index
        %swap3A_619 = arith.constant 96 : index
        %swap3A_620 = tpu.vector_load %arg10[%swap3A_618, %swap3A_619] {strides = array<i32>} : memref<32x128xf32, #tpu.memory_space<vmem>>, vector<16xf32>,
        tpu.vector_store %arg10[%swap3A_618, %swap3A_619], %scan3A_598#6 {strides = array<i32>} : memref<32x128xf32, #tpu.memory_space<vmem>>, vector<16xf32>,
        %swap3A_621 = arith.index_cast %scan3A_420 : i32 to index
        %swap3A_622 = arith.constant 112 : index
        %swap3A_623 = tpu.vector_load %arg10[%swap3A_621, %swap3A_622] {strides = array<i32>} : memref<32x128xf32, #tpu.memory_space<vmem>>, vector<16xf32>,
        tpu.vector_store %arg10[%swap3A_621, %swap3A_622], %scan3A_598#7 {strides = array<i32>} : memref<32x128xf32, #tpu.memory_space<vmem>>, vector<16xf32>,
      } else {
      }
      scf.yield %select_n3A_581, %select_n3A_586 : vector<16xi32>, vector<16xi32>
    }
    %scan3A_409 = arith.constant 25 : i32
    %swap3A_410 = arith.constant 0 : index
    %swap3A_411 = tpu.vector_load %arg12[%swap3A_410] {strides = array<i32>} : memref<32xi32, #tpu.memory_space<vmem>>, vector<16xi32>,
    tpu.vector_store %arg12[%swap3A_410], %scan3A_408#0 {strides = array<i32>} : memref<32xi32, #tpu.memory_space<vmem>>, vector<16xi32>,
    %swap3A_412 = arith.constant 16 : index
    %swap3A_413 = tpu.vector_load %arg12[%swap3A_412] {strides = array<i32>} : memref<32xi32, #tpu.memory_space<vmem>>, vector<16xi32>,
    tpu.vector_store %arg12[%swap3A_412], %scan3A_408#1 {strides = array<i32>} : memref<32xi32, #tpu.memory_space<vmem>>, vector<16xi32>,
    "tpu.region"() ({
      %run_scoped3A = tpu.sem_alloc : memref<!tpu.dma_semaphore, #tpu.memory_space<semaphore_mem>>
      %dma_start3A_420 = arith.constant 0 : i32
      %dma_start3A_421 = arith.constant 0 : i32
      %dma_start3A_422 = tpu.memref_slice %arg13[%dma_start3A_420, %dma_start3A_421] : memref<65x128xf32, #tpu.memory_space<vmem_shared>> -> memref<65x128xf32, #tpu.memory_space<vmem_shared>>
      tpu.enqueue_indirect_dma source(%arg10 : memref<32x128xf32, #tpu.memory_space<vmem>>) target(%dma_start3A_422 : memref<65x128xf32, #tpu.memory_space<vmem_shared>>) offsets(%arg12 : memref<32xi32, #tpu.memory_space<vmem>>) semaphore(%run_scoped3A : memref<!tpu.dma_semaphore, #tpu.memory_space<semaphore_mem>>) {add = true}
      %dma_wait3A_423 = arith.constant 0 : i32
      %dma_wait3A_424 = arith.constant 0 : i32
      %dma_wait3A_425 = tpu.memref_slice %arg13[%dma_wait3A_423, %dma_wait3A_424] : memref<65x128xf32, #tpu.memory_space<vmem_shared>> -> memref<65x128xf32, #tpu.memory_space<vmem_shared>>
      tpu.wait_indirect_dma semaphore(%run_scoped3A : memref<!tpu.dma_semaphore, #tpu.memory_space<semaphore_mem>>) src(%arg10 : memref<32x128xf32, #tpu.memory_space<vmem>>) dst(%dma_wait3A_425 : memref<65x128xf32, #tpu.memory_space<vmem_shared>>)
      tpu.yield
    }) : () -> ()
    "tpu.region"() ({
      %run_scoped3A = tpu.sem_alloc : memref<!tpu.dma_semaphore, #tpu.memory_space<semaphore_mem>>
      %dma_start3A_420 = arith.constant 0 : i32
      %dma_start3A_421 = arith.constant 0 : i32
      %dma_start3A_422 = tpu.memref_slice %arg14[%dma_start3A_420, %dma_start3A_421] : memref<65x16xf32, #tpu.memory_space<vmem_shared>> -> memref<65x16xf32, #tpu.memory_space<vmem_shared>>
      tpu.enqueue_indirect_dma source(%arg11 : memref<32x16xf32, #tpu.memory_space<vmem>>) target(%dma_start3A_422 : memref<65x16xf32, #tpu.memory_space<vmem_shared>>) offsets(%arg12 : memref<32xi32, #tpu.memory_space<vmem>>) semaphore(%run_scoped3A : memref<!tpu.dma_semaphore, #tpu.memory_space<semaphore_mem>>) {add = true}
      %dma_wait3A_423 = arith.constant 0 : i32
      %dma_wait3A_424 = arith.constant 0 : i32
      %dma_wait3A_425 = tpu.memref_slice %arg14[%dma_wait3A_423, %dma_wait3A_424] : memref<65x16xf32, #tpu.memory_space<vmem_shared>> -> memref<65x16xf32, #tpu.memory_space<vmem_shared>>
      tpu.wait_indirect_dma semaphore(%run_scoped3A : memref<!tpu.dma_semaphore, #tpu.memory_space<semaphore_mem>>) src(%arg11 : memref<32x16xf32, #tpu.memory_space<vmem>>) dst(%dma_wait3A_425 : memref<65x16xf32, #tpu.memory_space<vmem_shared>>)
      tpu.yield
    }) : () -> ()
    %barrier3A_414 = arith.constant 0 : index
    tpu.barrier barrier_id(%barrier3A_414)
    %eq3A_415 = arith.constant 0 : i32
    %eq3A_416 = arith.cmpi eq, %arg1, %eq3A_415 : i32
    %convert_element_type3A_417 = arith.extui %eq3A_416 : i1 to i32
    %cond3A_418 = arith.constant 0 : i32
    %cond3A_419 = arith.cmpi ne, %convert_element_type3A_417, %cond3A_418 : i32
    scf.if %cond3A_419 {
      %run_scoped3A = arith.constant 0 : i32
      "tpu.region"() ({
        %run_scoped3A_421 = tpu.sem_alloc : memref<!tpu.dma_semaphore, #tpu.memory_space<semaphore_mem>>
        %dma_start3A_422 = arith.constant 0 : i32
        %dma_start3A_423 = arith.constant 0 : i32
        %dma_start3A_424 = tpu.memref_slice %arg8[%run_scoped3A, %dma_start3A_422, %dma_start3A_423] : memref<6x125x128xf32, #tpu.memory_space<vmem>> -> memref<1x125x128xf32, #tpu.memory_space<vmem>>
        %dma_start3A_425 = tpu.memref_squeeze %dma_start3A_424 : memref<1x125x128xf32, #tpu.memory_space<vmem>> -> memref<125x128xf32, #tpu.memory_space<vmem>>
        %dma_start3A_426 = arith.constant 0 : i32
        %dma_start3A_427 = arith.constant 0 : i32
        %dma_start3A_428 = tpu.memref_slice %dma_start3A_425[%dma_start3A_426, %dma_start3A_427] : memref<125x128xf32, #tpu.memory_space<vmem>> -> memref<65x128xf32, #tpu.memory_space<vmem>>
        %dma_start3A_429 = arith.constant 0 : i32
        %dma_start3A_430 = arith.constant 0 : i32
        %dma_start3A_431 = tpu.memref_slice %arg8[%run_scoped3A, %dma_start3A_429, %dma_start3A_430] : memref<6x125x128xf32, #tpu.memory_space<vmem>> -> memref<1x125x128xf32, #tpu.memory_space<vmem>>
        %dma_start3A_432 = tpu.memref_squeeze %dma_start3A_431 : memref<1x125x128xf32, #tpu.memory_space<vmem>> -> memref<125x128xf32, #tpu.memory_space<vmem>>
        %dma_start3A_433 = arith.constant 0 : i32
        %dma_start3A_434 = arith.constant 0 : i32
        %dma_start3A_435 = tpu.memref_slice %dma_start3A_432[%dma_start3A_433, %dma_start3A_434] : memref<125x128xf32, #tpu.memory_space<vmem>> -> memref<65x128xf32, #tpu.memory_space<vmem>>
        tpu.enqueue_dma source(%arg13 : memref<65x128xf32, #tpu.memory_space<vmem_shared>>) target(%dma_start3A_435 : memref<65x128xf32, #tpu.memory_space<vmem>>) target_semaphore(%run_scoped3A_421 : memref<!tpu.dma_semaphore, #tpu.memory_space<semaphore_mem>>)
        %dma_wait3A_436 = arith.constant 0 : i32
        %dma_wait3A_437 = arith.constant 0 : i32
        %dma_wait3A_438 = tpu.memref_slice %arg8[%run_scoped3A, %dma_wait3A_436, %dma_wait3A_437] : memref<6x125x128xf32, #tpu.memory_space<vmem>> -> memref<1x125x128xf32, #tpu.memory_space<vmem>>
        %dma_wait3A_439 = tpu.memref_squeeze %dma_wait3A_438 : memref<1x125x128xf32, #tpu.memory_space<vmem>> -> memref<125x128xf32, #tpu.memory_space<vmem>>
        %dma_wait3A_440 = arith.constant 0 : i32
        %dma_wait3A_441 = arith.constant 0 : i32
        %dma_wait3A_442 = tpu.memref_slice %dma_wait3A_439[%dma_wait3A_440, %dma_wait3A_441] : memref<125x128xf32, #tpu.memory_space<vmem>> -> memref<65x128xf32, #tpu.memory_space<vmem>>
        %dma_wait3A_443 = arith.constant 0 : i32
        %dma_wait3A_444 = arith.constant 0 : i32
        %dma_wait3A_445 = tpu.memref_slice %arg8[%run_scoped3A, %dma_wait3A_443, %dma_wait3A_444] : memref<6x125x128xf32, #tpu.memory_space<vmem>> -> memref<1x125x128xf32, #tpu.memory_space<vmem>>
        %dma_wait3A_446 = tpu.memref_squeeze %dma_wait3A_445 : memref<1x125x128xf32, #tpu.memory_space<vmem>> -> memref<125x128xf32, #tpu.memory_space<vmem>>
        %dma_wait3A_447 = arith.constant 0 : i32
        %dma_wait3A_448 = arith.constant 0 : i32
        %dma_wait3A_449 = tpu.memref_slice %dma_wait3A_446[%dma_wait3A_447, %dma_wait3A_448] : memref<125x128xf32, #tpu.memory_space<vmem>> -> memref<65x128xf32, #tpu.memory_space<vmem>>
        tpu.wait_dma2 semaphore(%run_scoped3A_421 : memref<!tpu.dma_semaphore, #tpu.memory_space<semaphore_mem>>) src(%arg13 : memref<65x128xf32, #tpu.memory_space<vmem_shared>>) dst(%dma_wait3A_449 : memref<65x128xf32, #tpu.memory_space<vmem>>)
        tpu.yield
      }) : () -> ()
      %run_scoped3A_420 = arith.constant 0 : i32
      "tpu.region"() ({
        %run_scoped3A_421 = tpu.sem_alloc : memref<!tpu.dma_semaphore, #tpu.memory_space<semaphore_mem>>
        %dma_start3A_422 = arith.constant 0 : i32
        %dma_start3A_423 = arith.constant 0 : i32
        %dma_start3A_424 = tpu.memref_slice %arg8[%run_scoped3A_420, %dma_start3A_422, %dma_start3A_423] : memref<6x125x128xf32, #tpu.memory_space<vmem>> -> memref<1x125x128xf32, #tpu.memory_space<vmem>>
        %dma_start3A_425 = tpu.memref_squeeze %dma_start3A_424 : memref<1x125x128xf32, #tpu.memory_space<vmem>> -> memref<125x128xf32, #tpu.memory_space<vmem>>
        %dma_start3A_426 = arith.constant 0 : i32
        %dma_start3A_427 = arith.constant 0 : i32
        %dma_start3A_428 = tpu.memref_slice %dma_start3A_425[%dma_start3A_426, %dma_start3A_427] : memref<125x128xf32, #tpu.memory_space<vmem>> -> memref<65x128xf32, #tpu.memory_space<vmem>>
        %dma_start3A_429 = arith.constant 0 : i32
        %dma_start3A_430 = arith.constant 0 : i32
        %dma_start3A_431 = tpu.memref_slice %arg4[%arg0, %dma_start3A_429, %dma_start3A_430] : memref<2x65x128xf32, #tpu.memory_space<hbm>> -> memref<1x65x128xf32, #tpu.memory_space<hbm>>
        %dma_start3A_432 = tpu.memref_squeeze %dma_start3A_431 : memref<1x65x128xf32, #tpu.memory_space<hbm>> -> memref<65x128xf32, #tpu.memory_space<hbm>>
        %dma_start3A_433 = arith.constant 0 : i32
        %dma_start3A_434 = arith.constant 0 : i32
        %dma_start3A_435 = tpu.memref_slice %arg4[%arg0, %dma_start3A_433, %dma_start3A_434] : memref<2x65x128xf32, #tpu.memory_space<hbm>> -> memref<1x65x128xf32, #tpu.memory_space<hbm>>
        %dma_start3A_436 = tpu.memref_squeeze %dma_start3A_435 : memref<1x65x128xf32, #tpu.memory_space<hbm>> -> memref<65x128xf32, #tpu.memory_space<hbm>>
        %dma_start3A_437 = arith.constant 0 : i32
        %dma_start3A_438 = arith.constant 0 : i32
        %dma_start3A_439 = tpu.memref_slice %arg8[%run_scoped3A_420, %dma_start3A_437, %dma_start3A_438] : memref<6x125x128xf32, #tpu.memory_space<vmem>> -> memref<1x125x128xf32, #tpu.memory_space<vmem>>
        %dma_start3A_440 = tpu.memref_squeeze %dma_start3A_439 : memref<1x125x128xf32, #tpu.memory_space<vmem>> -> memref<125x128xf32, #tpu.memory_space<vmem>>
        %dma_start3A_441 = arith.constant 0 : i32
        %dma_start3A_442 = arith.constant 0 : i32
        %dma_start3A_443 = tpu.memref_slice %dma_start3A_440[%dma_start3A_441, %dma_start3A_442] : memref<125x128xf32, #tpu.memory_space<vmem>> -> memref<65x128xf32, #tpu.memory_space<vmem>>
        tpu.enqueue_dma source(%dma_start3A_443 : memref<65x128xf32, #tpu.memory_space<vmem>>) target(%dma_start3A_436 : memref<65x128xf32, #tpu.memory_space<hbm>>) target_semaphore(%run_scoped3A_421 : memref<!tpu.dma_semaphore, #tpu.memory_space<semaphore_mem>>)
        %dma_wait3A_444 = arith.constant 0 : i32
        %dma_wait3A_445 = arith.constant 0 : i32
        %dma_wait3A_446 = tpu.memref_slice %arg8[%run_scoped3A_420, %dma_wait3A_444, %dma_wait3A_445] : memref<6x125x128xf32, #tpu.memory_space<vmem>> -> memref<1x125x128xf32, #tpu.memory_space<vmem>>
        %dma_wait3A_447 = tpu.memref_squeeze %dma_wait3A_446 : memref<1x125x128xf32, #tpu.memory_space<vmem>> -> memref<125x128xf32, #tpu.memory_space<vmem>>
        %dma_wait3A_448 = arith.constant 0 : i32
        %dma_wait3A_449 = arith.constant 0 : i32
        %dma_wait3A_450 = tpu.memref_slice %dma_wait3A_447[%dma_wait3A_448, %dma_wait3A_449] : memref<125x128xf32, #tpu.memory_space<vmem>> -> memref<65x128xf32, #tpu.memory_space<vmem>>
        %dma_wait3A_451 = arith.constant 0 : i32
        %dma_wait3A_452 = arith.constant 0 : i32
        %dma_wait3A_453 = tpu.memref_slice %arg4[%arg0, %dma_wait3A_451, %dma_wait3A_452] : memref<2x65x128xf32, #tpu.memory_space<hbm>> -> memref<1x65x128xf32, #tpu.memory_space<hbm>>
        %dma_wait3A_454 = tpu.memref_squeeze %dma_wait3A_453 : memref<1x65x128xf32, #tpu.memory_space<hbm>> -> memref<65x128xf32, #tpu.memory_space<hbm>>
        %dma_wait3A_455 = arith.constant 0 : i32
        %dma_wait3A_456 = arith.constant 0 : i32
        %dma_wait3A_457 = tpu.memref_slice %arg4[%arg0, %dma_wait3A_455, %dma_wait3A_456] : memref<2x65x128xf32, #tpu.memory_space<hbm>> -> memref<1x65x128xf32, #tpu.memory_space<hbm>>
        %dma_wait3A_458 = tpu.memref_squeeze %dma_wait3A_457 : memref<1x65x128xf32, #tpu.memory_space<hbm>> -> memref<65x128xf32, #tpu.memory_space<hbm>>
        %dma_wait3A_459 = arith.constant 0 : i32
        %dma_wait3A_460 = arith.constant 0 : i32
        %dma_wait3A_461 = tpu.memref_slice %arg8[%run_scoped3A_420, %dma_wait3A_459, %dma_wait3A_460] : memref<6x125x128xf32, #tpu.memory_space<vmem>> -> memref<1x125x128xf32, #tpu.memory_space<vmem>>
        %dma_wait3A_462 = tpu.memref_squeeze %dma_wait3A_461 : memref<1x125x128xf32, #tpu.memory_space<vmem>> -> memref<125x128xf32, #tpu.memory_space<vmem>>
        %dma_wait3A_463 = arith.constant 0 : i32
        %dma_wait3A_464 = arith.constant 0 : i32
        %dma_wait3A_465 = tpu.memref_slice %dma_wait3A_462[%dma_wait3A_463, %dma_wait3A_464] : memref<125x128xf32, #tpu.memory_space<vmem>> -> memref<65x128xf32, #tpu.memory_space<vmem>>
        tpu.wait_dma2 semaphore(%run_scoped3A_421 : memref<!tpu.dma_semaphore, #tpu.memory_space<semaphore_mem>>) src(%dma_wait3A_465 : memref<65x128xf32, #tpu.memory_space<vmem>>) dst(%dma_wait3A_458 : memref<65x128xf32, #tpu.memory_space<hbm>>)
        tpu.yield
      }) : () -> ()
      "tpu.region"() ({
        %run_scoped3A_421 = tpu.sem_alloc : memref<!tpu.dma_semaphore, #tpu.memory_space<semaphore_mem>>
        %dma_start3A_422 = arith.constant 0 : i32
        %dma_start3A_423 = arith.constant 0 : i32
        %dma_start3A_424 = tpu.memref_slice %arg9[%dma_start3A_422, %dma_start3A_423] : memref<125x16xf32, #tpu.memory_space<vmem>> -> memref<65x16xf32, #tpu.memory_space<vmem>>
        %dma_start3A_425 = arith.constant 0 : i32
        %dma_start3A_426 = arith.constant 0 : i32
        %dma_start3A_427 = tpu.memref_slice %arg9[%dma_start3A_425, %dma_start3A_426] : memref<125x16xf32, #tpu.memory_space<vmem>> -> memref<65x16xf32, #tpu.memory_space<vmem>>
        tpu.enqueue_dma source(%arg14 : memref<65x16xf32, #tpu.memory_space<vmem_shared>>) target(%dma_start3A_427 : memref<65x16xf32, #tpu.memory_space<vmem>>) target_semaphore(%run_scoped3A_421 : memref<!tpu.dma_semaphore, #tpu.memory_space<semaphore_mem>>)
        %dma_wait3A_428 = arith.constant 0 : i32
        %dma_wait3A_429 = arith.constant 0 : i32
        %dma_wait3A_430 = tpu.memref_slice %arg9[%dma_wait3A_428, %dma_wait3A_429] : memref<125x16xf32, #tpu.memory_space<vmem>> -> memref<65x16xf32, #tpu.memory_space<vmem>>
        %dma_wait3A_431 = arith.constant 0 : i32
        %dma_wait3A_432 = arith.constant 0 : i32
        %dma_wait3A_433 = tpu.memref_slice %arg9[%dma_wait3A_431, %dma_wait3A_432] : memref<125x16xf32, #tpu.memory_space<vmem>> -> memref<65x16xf32, #tpu.memory_space<vmem>>
        tpu.wait_dma2 semaphore(%run_scoped3A_421 : memref<!tpu.dma_semaphore, #tpu.memory_space<semaphore_mem>>) src(%arg14 : memref<65x16xf32, #tpu.memory_space<vmem_shared>>) dst(%dma_wait3A_433 : memref<65x16xf32, #tpu.memory_space<vmem>>)
        tpu.yield
      }) : () -> ()
      "tpu.region"() ({
        %run_scoped3A_421 = tpu.sem_alloc : memref<!tpu.dma_semaphore, #tpu.memory_space<semaphore_mem>>
        %dma_start3A_422 = arith.constant 0 : i32
        %dma_start3A_423 = arith.constant 0 : i32
        %dma_start3A_424 = tpu.memref_slice %arg9[%dma_start3A_422, %dma_start3A_423] : memref<125x16xf32, #tpu.memory_space<vmem>> -> memref<65x16xf32, #tpu.memory_space<vmem>>
        %dma_start3A_425 = arith.constant 0 : i32
        %dma_start3A_426 = arith.constant 0 : i32
        %dma_start3A_427 = tpu.memref_slice %arg5[%arg0, %dma_start3A_425, %dma_start3A_426] : memref<2x65x16xf32, #tpu.memory_space<hbm>> -> memref<1x65x16xf32, #tpu.memory_space<hbm>>
        %dma_start3A_428 = tpu.memref_squeeze %dma_start3A_427 : memref<1x65x16xf32, #tpu.memory_space<hbm>> -> memref<65x16xf32, #tpu.memory_space<hbm>>
        %dma_start3A_429 = arith.constant 0 : i32
        %dma_start3A_430 = arith.constant 0 : i32
        %dma_start3A_431 = tpu.memref_slice %arg5[%arg0, %dma_start3A_429, %dma_start3A_430] : memref<2x65x16xf32, #tpu.memory_space<hbm>> -> memref<1x65x16xf32, #tpu.memory_space<hbm>>
        %dma_start3A_432 = tpu.memref_squeeze %dma_start3A_431 : memref<1x65x16xf32, #tpu.memory_space<hbm>> -> memref<65x16xf32, #tpu.memory_space<hbm>>
        %dma_start3A_433 = arith.constant 0 : i32
        %dma_start3A_434 = arith.constant 0 : i32
        %dma_start3A_435 = tpu.memref_slice %arg9[%dma_start3A_433, %dma_start3A_434] : memref<125x16xf32, #tpu.memory_space<vmem>> -> memref<65x16xf32, #tpu.memory_space<vmem>>
        tpu.enqueue_dma source(%dma_start3A_435 : memref<65x16xf32, #tpu.memory_space<vmem>>) target(%dma_start3A_432 : memref<65x16xf32, #tpu.memory_space<hbm>>) target_semaphore(%run_scoped3A_421 : memref<!tpu.dma_semaphore, #tpu.memory_space<semaphore_mem>>)
        %dma_wait3A_436 = arith.constant 0 : i32
        %dma_wait3A_437 = arith.constant 0 : i32
        %dma_wait3A_438 = tpu.memref_slice %arg9[%dma_wait3A_436, %dma_wait3A_437] : memref<125x16xf32, #tpu.memory_space<vmem>> -> memref<65x16xf32, #tpu.memory_space<vmem>>
        %dma_wait3A_439 = arith.constant 0 : i32
        %dma_wait3A_440 = arith.constant 0 : i32
        %dma_wait3A_441 = tpu.memref_slice %arg5[%arg0, %dma_wait3A_439, %dma_wait3A_440] : memref<2x65x16xf32, #tpu.memory_space<hbm>> -> memref<1x65x16xf32, #tpu.memory_space<hbm>>
        %dma_wait3A_442 = tpu.memref_squeeze %dma_wait3A_441 : memref<1x65x16xf32, #tpu.memory_space<hbm>> -> memref<65x16xf32, #tpu.memory_space<hbm>>
        %dma_wait3A_443 = arith.constant 0 : i32
        %dma_wait3A_444 = arith.constant 0 : i32
        %dma_wait3A_445 = tpu.memref_slice %arg5[%arg0, %dma_wait3A_443, %dma_wait3A_444] : memref<2x65x16xf32, #tpu.memory_space<hbm>> -> memref<1x65x16xf32, #tpu.memory_space<hbm>>
        %dma_wait3A_446 = tpu.memref_squeeze %dma_wait3A_445 : memref<1x65x16xf32, #tpu.memory_space<hbm>> -> memref<65x16xf32, #tpu.memory_space<hbm>>
        %dma_wait3A_447 = arith.constant 0 : i32
        %dma_wait3A_448 = arith.constant 0 : i32
        %dma_wait3A_449 = tpu.memref_slice %arg9[%dma_wait3A_447, %dma_wait3A_448] : memref<125x16xf32, #tpu.memory_space<vmem>> -> memref<65x16xf32, #tpu.memory_space<vmem>>
        tpu.wait_dma2 semaphore(%run_scoped3A_421 : memref<!tpu.dma_semaphore, #tpu.memory_space<semaphore_mem>>) src(%dma_wait3A_449 : memref<65x16xf32, #tpu.memory_space<vmem>>) dst(%dma_wait3A_446 : memref<65x16xf32, #tpu.memory_space<hbm>>)
        tpu.yield
      }) : () -> ()
    } else {
    }
    return
  }
}

module attributes {stable_mosaic.version = 14 : i64} {
  func.func @_fin_body(%arg0: memref<2x65x128xf32, #tpu.memory_space<hbm>>, %arg1: memref<2x65x16xf32, #tpu.memory_space<hbm>>, %arg2: memref<1x1xf32, #tpu.memory_space<vmem>>, %arg3: memref<2x65x128xf32, #tpu.memory_space<vmem>>, %arg4: memref<2x65x16xf32, #tpu.memory_space<vmem>>, %arg5: memref<!tpu.dma_semaphore, #tpu.memory_space<semaphore_mem>>, %arg6: memref<!tpu.dma_semaphore, #tpu.memory_space<semaphore_mem>>) attributes {dimension_semantics = [], scalar_prefetch = 0 : i64, scratch_operands = 4 : i64, tpu.core_type = #tpu.core_type<tc>} {
    tpu.enqueue_dma source(%arg0 : memref<2x65x128xf32, #tpu.memory_space<hbm>>) target(%arg3 : memref<2x65x128xf32, #tpu.memory_space<vmem>>) target_semaphore(%arg5 : memref<!tpu.dma_semaphore, #tpu.memory_space<semaphore_mem>>)
    tpu.enqueue_dma source(%arg1 : memref<2x65x16xf32, #tpu.memory_space<hbm>>) target(%arg4 : memref<2x65x16xf32, #tpu.memory_space<vmem>>) target_semaphore(%arg6 : memref<!tpu.dma_semaphore, #tpu.memory_space<semaphore_mem>>)
    tpu.wait_dma2 semaphore(%arg5 : memref<!tpu.dma_semaphore, #tpu.memory_space<semaphore_mem>>) src(%arg0 : memref<2x65x128xf32, #tpu.memory_space<hbm>>) dst(%arg3 : memref<2x65x128xf32, #tpu.memory_space<vmem>>)
    tpu.wait_dma2 semaphore(%arg6 : memref<!tpu.dma_semaphore, #tpu.memory_space<semaphore_mem>>) src(%arg1 : memref<2x65x16xf32, #tpu.memory_space<hbm>>) dst(%arg4 : memref<2x65x16xf32, #tpu.memory_space<vmem>>)
    %get3A = arith.constant 0 : index
    %get3A_0 = arith.constant 0 : index
    %get3A_1 = arith.constant 0 : index
    %get3A_2 = vector.load %arg3[%get3A, %get3A_0, %get3A_1] : memref<2x65x128xf32, #tpu.memory_space<vmem>>, vector<1x64x128xf32>
    %get3A_3 = vector.shape_cast %get3A_2 : vector<1x64x128xf32> to vector<64x128xf32>
    %get3A_4 = arith.constant 1 : index
    %get3A_5 = arith.constant 0 : index
    %get3A_6 = arith.constant 0 : index
    %get3A_7 = vector.load %arg3[%get3A_4, %get3A_5, %get3A_6] : memref<2x65x128xf32, #tpu.memory_space<vmem>>, vector<1x64x128xf32>
    %get3A_8 = vector.shape_cast %get3A_7 : vector<1x64x128xf32> to vector<64x128xf32>
    %add3A = arith.addf %get3A_3, %get3A_8 : vector<64x128xf32>
    %get3A_9 = arith.constant 0 : index
    %get3A_10 = arith.constant 0 : index
    %get3A_11 = arith.constant 0 : index
    %get3A_12 = vector.load %arg4[%get3A_9, %get3A_10, %get3A_11] : memref<2x65x16xf32, #tpu.memory_space<vmem>>, vector<1x64x1xf32>
    %get3A_13 = vector.shape_cast %get3A_12 : vector<1x64x1xf32> to vector<64x1xf32>
    %get3A_14 = arith.constant 1 : index
    %get3A_15 = arith.constant 0 : index
    %get3A_16 = arith.constant 0 : index
    %get3A_17 = vector.load %arg4[%get3A_14, %get3A_15, %get3A_16] : memref<2x65x16xf32, #tpu.memory_space<vmem>>, vector<1x64x1xf32>
    %get3A_18 = vector.shape_cast %get3A_17 : vector<1x64x1xf32> to vector<64x1xf32>
    %add3A_19 = arith.addf %get3A_13, %get3A_18 : vector<64x1xf32>
    %div3A = vector.broadcast %add3A_19 : vector<64x1xf32> to vector<64x128xf32>
    %div3A_20 = arith.divf %add3A, %div3A : vector<64x128xf32>
    %reduce_sum3A = arith.constant dense<0.000000e+00> : vector<128xf32>
    %reduce_sum3A_21 = vector.multi_reduction <add>, %div3A_20, %reduce_sum3A [0] : vector<64x128xf32> to vector<128xf32>
    %broadcast_in_dim3A = vector.shape_cast %reduce_sum3A_21 : vector<128xf32> to vector<1x128xf32>
    %div3A_22 = arith.constant 6.400000e+01 : f32
    %div3A_23 = vector.broadcast %div3A_22 : f32 to vector<1x128xf32>
    %div3A_24 = arith.divf %broadcast_in_dim3A, %div3A_23 : vector<1x128xf32>
    %sub3A = vector.broadcast %div3A_24 : vector<1x128xf32> to vector<64x128xf32>
    %sub3A_25 = arith.subf %div3A_20, %sub3A : vector<64x128xf32>
    %mul3A = arith.mulf %sub3A_25, %sub3A_25 : vector<64x128xf32>
    %reduce_sum3A_26 = arith.constant dense<0.000000e+00> : vector<128xf32>
    %reduce_sum3A_27 = vector.multi_reduction <add>, %mul3A, %reduce_sum3A_26 [0] : vector<64x128xf32> to vector<128xf32>
    %div3A_28 = arith.constant 6.300000e+01 : f32
    %div3A_29 = vector.broadcast %div3A_28 : f32 to vector<128xf32>
    %div3A_30 = arith.divf %reduce_sum3A_27, %div3A_29 : vector<128xf32>
    %reduce_sum3A_31 = vector.shape_cast %div3A_30 : vector<128xf32> to vector<1x128xf32>
    %reduce_sum3A_32 = arith.constant dense<0.000000e+00> : vector<1xf32>
    %reduce_sum3A_33 = vector.multi_reduction <add>, %reduce_sum3A_31, %reduce_sum3A_32 [1] : vector<1x128xf32> to vector<1xf32>
    %reduce_sum3A_34 = vector.shape_cast %reduce_sum3A_33 : vector<1xf32> to vector<1x1xf32>
    %reduce_sum3A_35 = vector.extract %reduce_sum3A_34[0, 0] : f32 from vector<1x1xf32>
    %div3A_36 = arith.constant 1.280000e+02 : f32
    %div3A_37 = arith.divf %reduce_sum3A_35, %div3A_36 : f32
    %mul3A_38 = arith.constant -0.00999999977 : f32
    %mul3A_39 = arith.mulf %mul3A_38, %div3A_37 : f32
    %reshape3A = vector.broadcast %mul3A_39 : f32 to vector<1x1xf32>
    %swap3A = arith.constant 0 : index
    %swap3A_40 = arith.constant 0 : index
    %swap3A_41 = vector.load %arg2[%swap3A, %swap3A_40] : memref<1x1xf32, #tpu.memory_space<vmem>>, vector<1x1xf32>
    tpu.vector_store %arg2[%swap3A, %swap3A_40], %reshape3A {strides = array<i32>} : memref<1x1xf32, #tpu.memory_space<vmem>>, vector<1x1xf32>,
    return
  }
}

</mosaic_0001>

<sc_bundles>
// kernel: kernel.4.cloned.1.call-start
scs
__scs_entry_jumppad:
0x0: {  	(pc) =	sbr.rel $0x88, $3  }
0x1: {  	(tag) =	ssettag $0x0;
	lr =	simm.s32 $0x1  }
0x2: {  	[smem:$0x3F9F] =	sst lr;
	_ =	strace $0xD0000000  }
0x3: {  	_ = 	snop  }
0x4: {  	_ = 	snop  }
0x5: {  	_ = 	snop  }
0x6: {  	_ = 	snop  }
0x7: {  	_ = 	snop  }
__scs_overlays_trampoline_lowered:
0x8: {  	[smem:$0x3FAE] =	sst s0  }
0x9: {  	[smem:$0x3FAF] =	sst s1  }
0xa: {  	[smem:$0x3FB0] =	sst s2  }
0xb: {  	[smem:$0x3FB1] =	sst s3  }
0xc: {  	[smem:$0x3FB2] =	sst s4  }
0xd: {  	[smem:$0x3FB3] =	sst s5  }
0xe: {  	[smem:$0x3FB4] =	sst s6  }
0xf: {  	[smem:$0x3FB5] =	sst s7  }
0x10: {  	[smem:$0x3FB6] =	sst s8  }
0x11: {  	[smem:$0x3FB7] =	sst s9;
	s0 =	simm.s32 @!p0 $0x0  }
0x12: {  	s1 =	sld [smem:$0x3F9D];
	s0 =	simm.s32 @p0 $0x1  }
0x13: {  	[smem:$0x3FB8] =	sst s0;
	s0 =	simm.s32 @!p1 $0x0  }
0x14: {  	s2 =	sld [smem:$0x3F9C];
	s0 =	simm.s32 @p1 $0x1  }
0x15: {  	[smem:$0x3FB9] =	sst s0;
	s0 =	simm.s32 @!p2 $0x0  }
0x16: {  	s3 =	sld [smem:$0x3FDB];
	s0 =	simm.s32 @p2 $0x1  }
0x17: {  	s4 =	simm.s32 $0x1BF5;
	[smem:$0x3FBB] =	sst s0  }
0x18: {  	s0 =	sld [smem:$0x3F9E];
	_ =	swait.ge [sflag:s4], $0x0  }
0x19: {  	s7 =	sld [smem:$0x3F9F]  }
0x1a: {  	s8 =	sadd.s32 $0xFFFFE003, lr  }
0x1b: {  	s9 =	sadd.s32 $0xFFFFFEF7, lr;
	s5 =	simm.s32 $0xFFFFFFFF;
	p2 =	slt.u32 s8, $0xFFFFF086  }
0x1c: {  	p1 =	slt.u32 s9, $0xF7A;
	s5 =	simm.s32 @!p2 $0x0  }
0x1d: {  	s5 =	simm.s32 @p1 $0x1;
	p0 =	seq.s32 s7, s2  }
0x1e: {  	s7 =	smul.u32 @!p0 $0xF7A, s2;
	p2 =	seq.s32 @!p0 s5, $0x0  }
0x1f: {  	s9 =	smul.u32 $0xF7A, s1;
	s8 =	simm.s32 @!p0 $0x1BF5;
	p2 =	por !p2, p0  }
0x20: {  	[sflag:s8] =	ssyncset.s32 @!p0 $0xFFFFF086;
	s6 =	sadd.s32 @!p0 s3, s7;
	s7 =	simm.s32 @!p0 $0x108  }
0x21: {  	s3 =	sadd.s32 s3, s9;
	s6 =	sadd.s32 @!p0 $0x88, s6;
	s7 =	simm.s32 @p2 $0x1082  }
0x22: {  	[simem:s7], [sflag:s8] =	dma.local @!p0 [hbm:s6], $0xF7A  }
0x23: {  	s9 =	sor.u32 $0xD0000000, s2;
	s6 =	simm.s32 $0x108;
	_ =	swait.ge @!p0 [sflag:s8], $0x0  }
0x24: {  	s3 =	sadd.s32 $0x88, s3;
	s6 =	simm.s32 @!p1 $0x1082;
	[sflag:s4] =	ssyncset.s32 $0xFFFFF086  }
0x25: {  	[simem:s6], [sflag:s4] =	dma.local [hbm:s3], $0xF7A  }
0x26: {  	[smem:$0x3F9F] =	sst s1;
	(tag) =	ssettag s2;
	_ =	strace s9  }
0x27: {  	s1 =	sld [smem:$0x3FAF]  }
0x28: {  	s2 =	sld [smem:$0x3FB0]  }
0x29: {  	s4 =	sld [smem:$0x3FB2]  }
0x2a: {  	p0 =	seq.s32 s5, $0x0;
	s5 =	sld [smem:$0x3FB3]  }
0x2b: {  	s6 =	sld [smem:$0x3FB4]  }
0x2c: {  	s7 =	sld [smem:$0x3FB5]  }
0x2d: {  	s3 =	simm.s32 $0x108;
	s8 =	sld [smem:$0x3FB6]  }
0x2e: {  	s3 =	simm.s32 @!p0 $0x1082;
	s9 =	sld [smem:$0x3FB7]  }
0x2f: {  	lr =	sadd.s32 s0, s3;
	s0 =	sld [smem:$0x3FAE]  }
0x30: {  	s3 =	sld [smem:$0x3FB1]  }
0x31: {  	[smem:$0x3FBA] =	sst s10  }
0x32: {  	s10 =	sld [smem:$0x3FB8];
	_ =	sdelay $0x3  }
0x33: {  	p0 =	seq.s32 s10, $0x1;
	s10 =	sld [smem:$0x3FBA];
	_ =	sdelay $0x3  }
0x34: {  	[smem:$0x3FBA] =	sst s10  }
0x35: {  	s10 =	sld [smem:$0x3FB9];
	_ =	sdelay $0x3  }
0x36: {  	p1 =	seq.s32 s10, $0x1;
	s10 =	sld [smem:$0x3FBA];
	_ =	sdelay $0x3  }
0x37: {  	[smem:$0x3FBA] =	sst s10  }
0x38: {  	s10 =	sld [smem:$0x3FBB]  }
0x39: {  	_ = 	snop;
	(pc) =	sbr.ind lr, $3  }
0x3a: {  	_ = 	snop  }
0x3b: {  	_ = 	snop  }
0x3c: {  	p2 =	seq.s32 s10, $0x1;
	s10 =	sld [smem:$0x3FBA]  }
0x3d: {  	_ =	shalt  }
0x3e: {  	_ =	shalt  }
0x3f: {  	_ =	shalt  }
0x40: {  	_ =	shalt  }
0x41: {  	_ =	shalt  }
0x42: {  	_ =	shalt  }
0x43: {  	_ =	shalt  }
0x44: {  	_ =	shalt  }
0x45: {  	_ =	shalt  }
0x46: {  	_ =	shalt  }
0x47: {  	_ =	shalt  }
0x48: {  	_ =	shalt  }
0x49: {  	_ =	shalt  }
0x4a: {  	_ =	shalt  }
0x4b: {  	_ =	shalt  }
0x4c: {  	_ =	shalt  }
0x4d: {  	_ =	shalt  }
0x4e: {  	_ =	shalt  }
0x4f: {  	_ =	shalt  }
0x50: {  	_ =	shalt  }
0x51: {  	_ =	shalt  }
0x52: {  	_ =	shalt  }
0x53: {  	_ =	shalt  }
0x54: {  	_ =	shalt  }
0x55: {  	_ =	shalt  }
0x56: {  	_ =	shalt  }
0x57: {  	_ =	shalt  }
0x58: {  	_ =	shalt  }
0x59: {  	_ =	shalt  }
0x5a: {  	_ =	shalt  }
0x5b: {  	_ =	shalt  }
0x5c: {  	_ =	shalt  }
0x5d: {  	_ =	shalt  }
0x5e: {  	_ =	shalt  }
0x5f: {  	_ =	shalt  }
0x60: {  	_ =	shalt  }
0x61: {  	_ =	shalt  }
0x62: {  	_ =	shalt  }
0x63: {  	_ =	shalt  }
0x64: {  	_ =	shalt  }
0x65: {  	_ =	shalt  }
0x66: {  	_ =	shalt  }
0x67: {  	_ =	shalt  }
0x68: {  	_ =	shalt  }
0x69: {  	_ =	shalt  }
0x6a: {  	_ =	shalt  }
0x6b: {  	_ =	shalt  }
0x6c: {  	_ =	shalt  }
0x6d: {  	_ =	shalt  }
0x6e: {  	_ =	shalt  }
0x6f: {  	_ =	shalt  }
0x70: {  	_ =	shalt  }
0x71: {  	_ =	shalt  }
0x72: {  	_ =	shalt  }
0x73: {  	_ =	shalt  }
0x74: {  	_ =	shalt  }
0x75: {  	_ =	shalt  }
0x76: {  	_ =	shalt  }
0x77: {  	_ =	shalt  }
0x78: {  	_ =	shalt  }
0x79: {  	_ =	shalt  }
0x7a: {  	_ =	shalt  }
0x7b: {  	_ =	shalt  }
0x7c: {  	_ =	shalt  }
0x7d: {  	_ =	shalt  }
0x7e: {  	_ =	shalt  }
0x7f: {  	_ =	shalt  }
0x80: {  	_ =	shalt  }
0x81: {  	_ =	shalt  }
0x82: {  	_ =	shalt  }
0x83: {  	_ =	shalt  }
0x84: {  	_ =	shalt  }
0x85: {  	_ =	shalt  }
0x86: {  	_ =	shalt  }
0x87: {  	_ =	shalt  }
.Lfunc_end0:
.L_simem_size_0:
called_computation_lowered:
.L_overlay_start_0:
0x88: {  	s2 =	sld [smem:$0x3FD9]  }
0x89: {  	s3 =	sld [smem:$0x3FFE];
	_ =	sdelay $0x1  }
0x8a: {  	s1 =	srdreg.scid  }
0x8b: {  	s0 =	sand.u32 $0x1, s1  }
0x8c: {  	s17 =	sshll.u32 s0, $0xA;
	s2 =	sadd.s32 s3, s2  }
0x8d: {  	s2 =	sadd.s32 s2, s17  }
0x8e: {  	[smem:$0x3FC6] =	sst s2  }
0x8f: {  	_ = 	snop  }
0x90: {  	s2 =	sld [smem:$0x3FC9]  }
0x91: {  	s18 =	sld [smem:$0x3FC8];
	(tm) =	ssettm $0x1  }
0x92: {  	s4 =	sld [smem:$0x3FFB];
	_ =	sdelay $0x3  }
0x93: {  	_ =	strace s4  }
0x94: {  	s4 =	sld [smem:$0x3FFC];
	_ =	sdelay $0x3  }
0x95: {  	_ =	strace s4  }
0x96: {  	s4 =	sld [smem:$0x3FFD];
	_ =	sdelay $0x3  }
0x97: {  	_ =	strace s4  }
0x98: {  	_ =	strace $0x8FFFFFFF  }
0x99: {  	s19 =	sld [smem:$0x3FDB];
	_ =	sdelay $0x1  }
0x9a: {  	s5 =	simm.s32 $_scs_section_size  }
0x9b: {  	s6 =	simm.s32 $_size__tile_overlayer_lowered;
	s7 =	simm.s32 $_tile_overlayer_lowered  }
0x9c: {  	s22 =	simm.s32 $0x1BFF;
	s21 =	sshll.u32 s7, $0x1;
	s4 =	sadd.s32 s5, s19  }
0x9d: {  	s8 =	simm.s32 $0x0;
	s20 =	sshll.u32 s6, $0x1;
	s6 =	sadd.s32 s21, s4  }
0x9e: {  	[timem:s8], [sflag:s22] =	dma.local [hbm:s6], s20  }
0x9f: {  	_ =	swait.ge [sflag:s22], s20  }
0xa0: {  	s5 =	ssub.s32 $0x0, s20;
	[sflag:s22] =	ssyncset.done $0x0  }
0xa1: {  	[sflag:s22] =	ssyncadd.s32 s5;
	_ =	sdelay $0x1  }
0xa2: {  	s23 =	simm.s32 $0x1B8B  }
0xa3: {  	_ =	swait.ge [sflag:s23], $0x1  }
0xa4: {  	[sflag:s23] =	ssyncset.done $0x0  }
0xa5: {  	s25 =	simm.s32 $0x1B8E;
	s24 =	sld [smem:$0x3FFE];
	[sflag:s23] =	ssyncadd.s32 $0xFFFFFFFF  }
0xa6: {  	s26 =	simm.s32 $execute0_lowered;
	[smem:$0x3FD2] =	sst s25  }
0xa7: {  	s6 =	sshll.u32 s26, $0x1;
	_ =	strace $0x80000046;
	[dreg:$0x1] =	wrdreg $0xFFFFFFFF  }
0xa8: {  	s28 =	simm.s32 $_size_execute0_lowered;
	s4 =	sadd.s32 s4, s6;
	[dreg:$0x0] =	wrdreg $0x0  }
0xa9: {  	s6 =	sshll.u32 s28, $0x1;
	[dreg:$0x2] =	wrdreg s4  }
0xaa: {  	[dreg:$0x3] =	wrdreg s6  }
0xab: {  	[dreg:$0x4] =	wrdreg $0xC0  }
0xac: {  	_ =	task [dreg:s8], $0x5FFFF  }
0xad: {  	[dreg:$0x1] =	wrdreg $0xFFFFFFFF  }
0xae: {  	[dreg:$0x0] =	wrdreg $0x60  }
0xaf: {  	[dreg:$0x2] =	wrdreg s2  }
0xb0: {  	[dreg:$0x3] =	wrdreg s18  }
0xb1: {  	[dreg:$0x4] =	wrdreg s24  }
0xb2: {  	[dreg:$0x5] =	wrdreg $0x19DC80  }
0xb3: {  	[dreg:$0x6] =	wrdreg $0x19FD00  }
0xb4: {  	[dreg:$0x7] =	wrdreg $0x9  }
0xb5: {  	_ =	task.clear_ibuf [dreg:s8], $0x8FFFF;
	_ =	strace $0x90000046  }
0xb6: {  	s29 =	simm.s32 $0x9;
	_ =	strace $0x80000048  }
0xb7: {  	_ =	swait.ge [sflag:s29], $0x1  }
0xb8: {  	[sflag:s29] =	ssyncadd.s32 $0xFFFFFFFF  }
0xb9: {  	_ =	strace $0x90000048  }
0xba: {  	_ =	sfence  }
0xbb: {  	s30 =	sld [smem:$0x0];
	_ =	sdelay $0x2  }
0xbc: {  	s31 =	sshll.u32 s1, $0xD;
	s1 =	sshrl.u32 s1, $0x2  }
0xbd: {  	s3 =	sand.u32 $0x4000, s31;
	s1 =	sadd.s32 s1, s30  }
0xbe: {  	s0 =	sor.u32 s3, s0;
	s1 =	sshll.u32 s1, $0x11  }
0xbf: {  	s0 =	sor.u32 s1, s0  }
0xc0: {  	s0 =	sadd.s32 $0x8F2B, s0  }
0xc1: {  	[sflag:s0] =	ssyncadd.remote.s32 $0x1  }
0xc2: {  	_ =	sfence.sel $0xFFFF  }
0xc3: {  	[dreg:$0x0] =	wrdreg $0xFFFFFFFF;
	(pc) =	sbr.abs _section_cstart, $3  }
0xc4: {  	[dreg:$0x1] =	wrdreg $0xFFFFFFFF  }
0xc5: {  	_ =	task.clear_ibuf [dreg:s8], $0x2FFFF;
	_ =	strace $0x9FFFFFFF  }
0xc6: {  	(tm) =	ssettm $0x7FFFFFFF  }
0xc7: {  	_ =	shalt  }
tec
execute0_lowered:
.L_overlay_start_1:
0x0: {  	(tag) =	ssettag $0x1  }
0x1: {  	s0 =	rddreg [dreg:$0x0]  }
0x2: {  	s1 =	rddreg [dreg:$0x1]  }
0x3: {  	s6 =	rddreg [dreg:$0x2]  }
0x4: {  	s2 =	rddreg [dreg:$0x3]  }
0x5: {  	s4 =	srdreg.scid;
	s3 =	rddreg [dreg:$0x4]  }
0x6: {  	s14 =	stileid.u32;
	s28 =	simm.s32 $0x20;
	s29 =	simm.s32 $0x19DA8  }
0x7: {  	s31 =	simm.s32 $0x7D;
	s7 =	sand.u32 $0x1, s4;
	s5 =	sshll.u32 s14, $0x1  }
0x8: {  	s4 =	simm.s32 $0x0;
	s26 =	sshll.u32 s14, $0x9;
	s30 =	sadd.s32 $0x2000, s2  }
0x9: {  	p0 =	sne.s32 s14, $0x0;
	s14 =	simm.s32 $0x0;
	s8 =	smul.u32 $0x410, s7  }
0xa: {  	s9 =	smul.u32 $0x82, s7;
	s10 =	sor.u32 s7, s5;
	[smem:$0x7FF] =	sst s4  }
0xb: {  	s7 =	ssub.s32 $0x2, s7;
	s13 =	sadd.s32 s26, s2;
	s5 =	smul.u32 $0xC35, s10  }
0xc: {  	s26 =	simm.s32 $0x7;
	_ =	strace $0x80000047;
	s11 =	smul.u32 $0x61A80, s10  }
0xd: {  	s20 =	sshrl.u32 s7, $0x1;
	s10 =	smul.u32 $0xC350, s10;
	[dreg:$0x7] =	wrdreg s30  }
0xe: {  	s15 =	sadd.s32 s8, s6;
	s16 =	sadd.s32 s9, s6;
	s17 =	ssub.s32 s7, s20  }
0xf: {  	s21 =	sshrl.u32 s11, $0x3;
	s22 =	sadd.s32 s0, s10;
	s24 =	sand.u32 $0x1FFF8, s5  }
0x10: {  	s15 =	sadd.s32 $0x800, s15;
	s16 =	sadd.s32 $0x1200, s16;
	s17 =	smax.u32 s17, $0x1  }
.Ltmp0:
0x11: {  	[dreg:$0x6] =	wrdreg s22;
	s23 =	sadd.s32 s0, s21;
	(pc) =	sbr.rel .LBB2_1-.Ltmp0, $4  }
0x12: {  	s25 =	smin.u32 s24, $0x17A48;
	s24 =	simm.s32 $0x8;
	s7 =	sadd.s32 $0x7D0, s23  }
0x13: {  	s8 =	sadd.s32 $0xFA0, s23;
	s9 =	sadd.s32 $0x1770, s23;
	s10 =	sadd.s32 $0x1F40, s23  }
0x14: {  	v0 =	vimm.f32 $0.0e+00;
	v1 =	vimm.f32 $1.000000000e+00;
	v2 =	vimm.f32 $1.250000000e+02;
	s12 =	sshrl.u32 s25, $0x3;
	s11 =	ssub.s32 s5, s25;
	s23 =	simm.s32 $0x18BA8  }
0x15: {  	v3 =	vlaneseq.u32;
	vm0 =	vmxor vm0, vm0;
	s25 =	simm.s32 $0x183D8;
	s12 =	sadd.s32 s1, s12;
	v4 =	vmov s11;
	s1 =	simm.s32 $0xC58  }
.LBB2_13:
0x16: {  	[tilespmem:$0x19DA8] =	vst v6  }
0x17: {  	[tilespmem:$0x19DB8] =	vst v5  }
0x18: {  	[spmem:s2] =	stream.indirect.scatter.add.f32 [tilespmem:s23], [sflag:$0x8], $0x80, s29, s28, $0xb8;
	[tilespmem:$0x1A018] =	vst v63  }
0x19: {  	_ =	swait.ge [sflag:s24], $0x1000  }
0x1a: {  	[sflag:s24] =	ssyncset.done $0x0  }
0x1b: {  	s6 =	simm.s32 $0x19BA8;
	[sflag:s24] =	ssyncadd.s32 $0xFFFFF000  }
0x1c: {  	[spmem:s3] =	stream.indirect.scatter.add.f32 [tilespmem:s6], [sflag:$0x8], $0x10, s29, s28, $0xb8;
	[tilespmem:$0x1A018] =	vst v63  }
0x1d: {  	_ =	swait.ge [sflag:s24], $0x200  }
0x1e: {  	[sflag:s24] =	ssyncset.done $0x0  }
0x1f: {  	[sflag:s24] =	ssyncadd.s32 $0xFFFFFE00  }
0x20: {  	s18 =	simm.s32 @!p0 $0x8;
	s6 =	simm.s32 @!p0 $0xCD8;
	[bflag:$0x0] =	sbarrier.arrive $0xFFFF  }
0x21: {  	[tilespmem:s6], [sflag:$0x8] =	stream.linear.gather @!p0 [spmem:s2], $0x2080, $0x38;
	[tilespmem:$0x1A018] =	vst v63  }
0x22: {  	_ =	swait.ge @!p0 [sflag:s18], $0x2080  }
0x23: {  	[sflag:s18] =	ssyncset.done @!p0 $0x0  }
0x24: {  	s19 =	simm.s32 @!p0 $0x0;
	[sflag:s18] =	ssyncadd.s32 @!p0 $0xFFFFDF80  }
0x25: {  	[hbm4b:s15+s19] =	stream.linear.scatter @!p0 [tilespmem:s6], [sflag:$0x8], $0x2080, $0x38;
	[tilespmem:$0x1A018] =	vst v63  }
0x26: {  	_ =	swait.ge @!p0 [sflag:s18], $0x2080  }
0x27: {  	[sflag:s18] =	ssyncset.done @!p0 $0x0  }
0x28: {  	s6 =	simm.s32 @!p0 $0x183D8;
	[sflag:s18] =	ssyncadd.s32 @!p0 $0xFFFFDF80  }
0x29: {  	[tilespmem:s6], [sflag:$0x8] =	stream.linear.gather @!p0 [spmem:s3], $0x410, $0x38;
	[tilespmem:$0x1A018] =	vst v63  }
0x2a: {  	s14 =	sadd.s32 $0x1, s14;
	_ =	swait.ge @!p0 [sflag:s18], $0x410  }
0x2b: {  	p1 =	sne.s32 s14, s17;
	[sflag:s18] =	ssyncset.done @!p0 $0x0  }
.Ltmp1:
0x2c: {  	[sflag:s18] =	ssyncadd.s32 @!p0 $0xFFFFFBF0;
	(pc) =	sbr.rel @!p1 .LBB2_14-.Ltmp1, $4  }
0x2d: {  	[hbm4b:s16+s19] =	stream.linear.scatter @!p0 [tilespmem:s6], [sflag:$0x8], $0x410, $0x38;
	[tilespmem:$0x1A018] =	vst v63  }
0x2e: {  	_ =	swait.ge @!p0 [sflag:s18], $0x410  }
0x2f: {  	[sflag:s18] =	ssyncset.done @!p0 $0x0  }
0x30: {  	[sflag:s18] =	ssyncadd.s32 @!p0 $0xFFFFFBF0  }
.LBB2_1:
0x31: {  	s6 =	rddreg [dreg:$0x6];
	s18 =	simm.s32 $0xCD8  }
0x32: {  	[tilespmem:s18], [sflag:$0x1] =	stream.linear.gather [hbm4b:s6+s4], $0x3E80, $0x38;
	[tilespmem:$0x1A018] =	vst v63  }
0x33: {  	s20 =	simm.s32 $0x4B58  }
0x34: {  	[tilespmem:s20], [sflag:$0x2] =	stream.linear.gather [hbm4b:s7+s4], $0x3E80, $0x38;
	[tilespmem:$0x1A018] =	vst v63  }
0x35: {  	s21 =	simm.s32 $0x89D8  }
0x36: {  	[tilespmem:s21], [sflag:$0x3] =	stream.linear.gather [hbm4b:s8+s4], $0x3E80, $0x38;
	[tilespmem:$0x1A018] =	vst v63  }
0x37: {  	s22 =	simm.s32 $0xC858  }
0x38: {  	[tilespmem:s22], [sflag:$0x4] =	stream.linear.gather [hbm4b:s9+s4], $0x3E80, $0x38;
	[tilespmem:$0x1A018] =	vst v63  }
0x39: {  	s30 =	simm.s32 $0x106D8  }
0x3a: {  	[tilespmem:s30], [sflag:$0x5] =	stream.linear.gather [hbm4b:s10+s4], $0x3E80, $0x38;
	[tilespmem:$0x1A018] =	vst v63  }
0x3b: {  	_ = 	snop  }
0x3c: {  	[tilespmem:s4], [sflag:$0x7] =	stream.linear.gather [hbm4b:s12+s4], $0xC58, $0x38;
	[tilespmem:$0x1A018] =	vst v63  }
0x3d: {  	[tilespmem:$0x18BA8] =	vst v0  }
0x3e: {  	[tilespmem:$0x18BB8] =	vst v0  }
0x3f: {  	[tilespmem:$0x18BC8] =	vst v0  }
0x40: {  	[tilespmem:$0x18BD8] =	vst v0  }
0x41: {  	[tilespmem:$0x18BE8] =	vst v0  }
0x42: {  	[tilespmem:$0x18BF8] =	vst v0  }
0x43: {  	[tilespmem:$0x18C08] =	vst v0  }
0x44: {  	[tilespmem:$0x18C18] =	vst v0  }
0x45: {  	[tilespmem:$0x19BA8] =	vst v0  }
0x46: {  	[tilespmem:$0x18C28] =	vst v0  }
0x47: {  	[tilespmem:$0x18C38] =	vst v0  }
0x48: {  	[tilespmem:$0x18C48] =	vst v0  }
0x49: {  	[tilespmem:$0x18C58] =	vst v0  }
0x4a: {  	[tilespmem:$0x18C68] =	vst v0  }
0x4b: {  	[tilespmem:$0x18C78] =	vst v0  }
0x4c: {  	[tilespmem:$0x18C88] =	vst v0  }
0x4d: {  	[tilespmem:$0x18C98] =	vst v0  }
0x4e: {  	[tilespmem:$0x19BB8] =	vst v0  }
0x4f: {  	[tilespmem:$0x18CA8] =	vst v0  }
0x50: {  	[tilespmem:$0x18CB8] =	vst v0  }
0x51: {  	[tilespmem:$0x18CC8] =	vst v0  }
0x52: {  	[tilespmem:$0x18CD8] =	vst v0  }
0x53: {  	[tilespmem:$0x18CE8] =	vst v0  }
0x54: {  	[tilespmem:$0x18CF8] =	vst v0  }
0x55: {  	[tilespmem:$0x18D08] =	vst v0  }
0x56: {  	[tilespmem:$0x18D18] =	vst v0  }
0x57: {  	[tilespmem:$0x19BC8] =	vst v0  }
0x58: {  	[tilespmem:$0x18D28] =	vst v0  }
0x59: {  	[tilespmem:$0x18D38] =	vst v0  }
0x5a: {  	[tilespmem:$0x18D48] =	vst v0  }
0x5b: {  	[tilespmem:$0x18D58] =	vst v0  }
0x5c: {  	[tilespmem:$0x18D68] =	vst v0  }
0x5d: {  	[tilespmem:$0x18D78] =	vst v0  }
0x5e: {  	[tilespmem:$0x18D88] =	vst v0  }
0x5f: {  	[tilespmem:$0x18D98] =	vst v0  }
.Ltmp2:
0x60: {  	[tilespmem:$0x19BD8] =	vst v0;
	(pc) =	sbr.rel @p0 .LBB2_5-.Ltmp2, $4  }
0x61: {  	[spmem:s13] =	stream.linear.scatter [tilespmem:s23], [sflag:$0x8], $0x200, $0x38;
	[tilespmem:$0x1A018] =	vst v63  }
0x62: {  	_ =	swait.ge [sflag:s24], $0x200  }
0x63: {  	[sflag:s24] =	ssyncset.done $0x0  }
0x64: {  	[sflag:s24] =	ssyncadd.s32 $0xFFFFFE00  }
0x65: {  	s6 =	rddreg [dreg:$0x7]  }
0x66: {  	[spmem:s6] =	stream.linear.scatter [tilespmem:s23], [sflag:$0x8], $0x80, $0x38;
	[tilespmem:$0x1A018] =	vst v63  }
0x67: {  	_ =	swait.ge [sflag:s24], $0x80  }
0x68: {  	[sflag:s24] =	ssyncset.done $0x0  }
0x69: {  	s18 =	simm.s32 $0x40;
	s19 =	simm.s32 $0x0;
	[sflag:s24] =	ssyncadd.s32 $0xFFFFFF80  }
.LBB2_3:
0x6a: {  	p1 =	sne.s32 s18, $0x1000;
	[tilespmem:s19+$0x183D8] =	vst v0;
	s19 =	smov.u32 s18;
	s18 =	sadd.s32 $0x40, s18  }
.Ltmp3:
0x6b: {  	(pc) =	sbr.rel @p1 .LBB2_3-.Ltmp3, $2  }
0x6c: {  	_ =	sdelay $0x2  }
0x6d: {  	s19 =	sshra.s32 s19, $0x2  }
0x6e: {  	[tilespmem:s19+$0x183D8] =	vst v0  }
0x6f: {  	[spmem:s3] =	stream.linear.scatter [tilespmem:s25], [sflag:$0x8], $0x410, $0x38;
	[tilespmem:$0x1A018] =	vst v63  }
0x70: {  	_ =	swait.ge [sflag:s24], $0x410  }
0x71: {  	[sflag:s24] =	ssyncset.done $0x0  }
0x72: {  	[sflag:s24] =	ssyncadd.s32 $0xFFFFFBF0  }
.LBB2_5:
0x73: {  	[bflag:$0x0] =	sbarrier.arrive $0xFFFF;
	s18 =	simm.s32 $0x40;
	s19 =	simm.s32 $0x0  }
.LBB2_6:
0x74: {  	p1 =	sne.s32 s18, $0x1F00;
	[tilespmem:s19+$0x183D8] =	vst v1;
	s19 =	smov.u32 s18;
	s18 =	sadd.s32 $0x40, s18  }
.Ltmp4:
0x75: {  	(pc) =	sbr.rel @p1 .LBB2_6-.Ltmp4, $2  }
0x76: {  	_ =	sdelay $0x2  }
0x77: {  	s19 =	sshra.s32 s19, $0x2  }
0x78: {  	[tilespmem:s19+$0x183D8] =	vst v1  }
0x79: {  	[tilespmem:$0x19BA8] =	vst v2  }
0x7a: {  	[tilespmem:$0x19BB8] =	vst v2  }
0x7b: {  	[tilespmem:$0x19BC8] =	vst v2  }
0x7c: {  	[tilespmem:$0x19BD8] =	vst v2  }
0x7d: {  	[tilespmem:$0x19BE8] =	vst v2  }
0x7e: {  	[tilespmem:$0x19BF8] =	vst v2  }
0x7f: {  	[tilespmem:$0x19C08] =	vst v2  }
0x80: {  	[tilespmem:$0x19C18] =	vst v2  }
0x81: {  	[tilespmem:$0x19C28] =	vst v2  }
0x82: {  	[tilespmem:$0x19C38] =	vst v2  }
0x83: {  	[tilespmem:$0x19C48] =	vst v2  }
0x84: {  	[tilespmem:$0x19C58] =	vst v2  }
0x85: {  	[tilespmem:$0x19C68] =	vst v2  }
0x86: {  	[tilespmem:$0x19C78] =	vst v2  }
0x87: {  	[tilespmem:$0x19C88] =	vst v2  }
0x88: {  	[tilespmem:$0x19C98] =	vst v2  }
0x89: {  	[tilespmem:$0x19CA8] =	vst v2  }
0x8a: {  	[tilespmem:$0x19CB8] =	vst v2  }
0x8b: {  	[tilespmem:$0x19CC8] =	vst v2  }
0x8c: {  	[tilespmem:$0x19CD8] =	vst v2  }
0x8d: {  	[tilespmem:$0x19CE8] =	vst v2  }
0x8e: {  	[tilespmem:$0x19CF8] =	vst v2  }
0x8f: {  	[tilespmem:$0x19D08] =	vst v2  }
0x90: {  	[tilespmem:$0x19D18] =	vst v2  }
0x91: {  	[tilespmem:$0x19D28] =	vst v2  }
0x92: {  	[tilespmem:$0x19D38] =	vst v2  }
0x93: {  	[tilespmem:$0x19D48] =	vst v2  }
0x94: {  	[tilespmem:$0x19D58] =	vst v2  }
0x95: {  	[tilespmem:$0x19D68] =	vst v2  }
0x96: {  	[tilespmem:$0x19D78] =	vst v2  }
.Ltmp5:
0x97: {  	[tilespmem:$0x19D88] =	vst v2;
	(pc) =	sbr.rel .LBB2_8-.Ltmp5, $4  }
0x98: {  	[tilespmem:$0x19D98] =	vst v2  }
0x99: {  	_ =	swait.ge [sflag:s26], $0xC58  }
0x9a: {  	[sflag:s26] =	ssyncset.done $0x0  }
0x9b: {  	s18 =	simm.s32 $0x0;
	v6 =	vimm.s32 $0x0;
	v5 =	vimm.s32 $0x40;
	s19 =	simm.s32 $0xCD8;
	[sflag:s26] =	ssyncadd.s32 $0xFFFFF3A8  }
.LBB2_15:
0x9c: {  	[tilespmem:$0xC58] =	vst v7  }
0x9d: {  	v7 =	vld [tilespmem:s22+$0x10];
	_ =	sdelay $0x4  }
0x9e: {  	[tilespmem:$0xC68] =	vst v7  }
0x9f: {  	v7 =	vld [tilespmem:s22+$0x20];
	_ =	sdelay $0x4  }
0xa0: {  	[tilespmem:$0xC78] =	vst v7  }
0xa1: {  	v7 =	vld [tilespmem:s22+$0x30];
	_ =	sdelay $0x4  }
0xa2: {  	[tilespmem:$0xC88] =	vst v7  }
0xa3: {  	v7 =	vld [tilespmem:s22+$0x40];
	_ =	sdelay $0x4  }
0xa4: {  	[tilespmem:$0xC98] =	vst v7  }
0xa5: {  	v7 =	vld [tilespmem:s22+$0x50];
	_ =	sdelay $0x4  }
0xa6: {  	[tilespmem:$0xCA8] =	vst v7  }
0xa7: {  	v7 =	vld [tilespmem:s22+$0x60];
	_ =	sdelay $0x4  }
0xa8: {  	[tilespmem:$0xCB8] =	vst v7  }
0xa9: {  	v7 =	vld [tilespmem:s22+$0x6D];
	_ =	sdelay $0x1  }
0xaa: {  	s6 =	smul.u32 $0xFA00, s21;
	_ =	sdelay $0x1  }
0xab: {  	s6 =	sshrl.u32 s6, $0x2  }
0xac: {  	s6 =	sadd.s32 $0xCD8, s6;
	[tilespmem:$0xCC5] =	vst v7  }
0xad: {  	[spmem:s2] =	stream.indirect.scatter.add.f32 [tilespmem:s6], [sflag:$0x8], $0x80, s1, s31, $0xb8;
	[tilespmem:$0x1A018] =	vst v63  }
0xae: {  	_ =	swait.ge [sflag:s24], $0x3E80  }
0xaf: {  	[sflag:s24] =	ssyncset.done $0x0  }
0xb0: {  	[sflag:s24] =	ssyncadd.s32 $0xFFFFC180  }
0xb1: {  	[spmem:s3] =	stream.indirect.scatter.add.f32 [tilespmem:s25], [sflag:$0x8], $0x10, s1, s31, $0xb8;
	[tilespmem:$0x1A018] =	vst v63  }
0xb2: {  	_ =	swait.ge [sflag:s24], $0x7D0  }
0xb3: {  	[sflag:s24] =	ssyncset.done $0x0  }
0xb4: {  	[sflag:s24] =	ssyncadd.s32 $0xFFFFF830  }
.LBB2_12:
0xb5: {  	s6 =	sand.u32 $0xF, s18;
	p2 =	slt.u32 s18, $0x10  }
0xb6: {  	p3 =	sgt.u32 s18, $0xF;
	s18 =	sadd.s32 $0x1, s18;
	v7 =	vmov s6;
	s6 =	sxor.u32 $0x80000000, s20  }
0xb7: {  	s6 =	simm.s32 @!p1 $0x40;
	p1 =	sne.s32 s18, $0x19  }
.Ltmp6:
0xb8: {  	_ = 	snop;
	(pc) =	sbr.rel @!p1 .LBB2_13-.Ltmp6, $4  }
0xb9: {  	vm1 =	vmmov vm0;
	vm2 =	vmmov vm0  }
0xba: {  	vm1 =	vmneg @p2 vm1;
	vm2 =	vmneg @p3 vm2;
	vm3 =	veq.s32 v7, v3  }
0xbb: {  	vm1 =	vmand vm1, vm3;
	vm2 =	vmand vm2, vm3  }
0xbc: {  	s19 =	sadd.s32 $0x3E80, s19;
	v6 =	vsel vm1, s6, v6;
	v5 =	vsel vm2, s6, v5  }
.LBB2_8:
0xbd: {  	p1 =	sgt.u32 s18, $0x13  }
0xbe: {  	s20 =	sadd.s32 @!p1 $0x5, s18  }
0xbf: {  	s21 =	smul.u32 @!p1 $0xAB, s20;
	_ =	sdelay $0x1  }
0xc0: {  	s21 =	sshrl.u32 @!p1 s21, $0xA  }
0xc1: {  	s21 =	sand.u32 @!p1 $0x3F, s21  }
0xc2: {  	s21 =	smul.u32 @!p1 $0x6, s21  }
0xc3: {  	s30 =	smul.u32 $0xAB, s18  }
0xc4: {  	s21 =	ssub.s32 @!p1 s20, s21;
	s20 =	smul.u32 @!p1 $0x7D, s20  }
0xc5: {  	s21 =	sand.u32 @!p1 $0xFF, s21  }
0xc6: {  	s30 =	sshrl.u32 s30, $0xA;
	s22 =	smul.u32 @!p1 $0xFA00, s21;
	s20 =	sadd.s32 @!p1 s5, s20  }
0xc7: {  	s6 =	simm.s32 @!p1 $0x0;
	s30 =	sand.u32 $0x3F, s30;
	s20 =	sshll.u32 @!p1 s20, $0x4  }
0xc8: {  	s30 =	smul.u32 $0x6, s30;
	s22 =	sshrl.u32 @!p1 s22, $0x2;
	s20 =	sand.u32 @!p1 $0x1FFFFFF0, s20  }
0xc9: {  	s21 =	sadd.s32 @!p1 $0x1, s21;
	s22 =	sadd.s32 @!p1 $0xCD8, s22;
	s20 =	sadd.s32 @!p1 s0, s20  }
0xca: {  	[tilespmem:s22], [sflag:s21] =	stream.linear.gather @!p1 [hbm4b:s20+s6], $0x3E80, $0x38;
	[tilespmem:$0x1A018] =	vst v63  }
0xcb: {  	s22 =	ssub.s32 s18, s30  }
0xcc: {  	s21 =	sand.u32 $0xFF, s22  }
0xcd: {  	s6 =	sadd.s32 $0x1, s21  }
0xce: {  	_ =	swait.ge [sflag:s6], $0x3E80  }
0xcf: {  	s22 =	smul.u32 $0x7D, s18;
	[sflag:s6] =	ssyncset.done $0x0  }
0xd0: {  	[sflag:s6] =	ssyncadd.s32 $0xFFFFC180  }
0xd1: {  	v7 =	vld.idx.msk [tilespmem:v4+s22+$0x0 ss:$0x1], $0xffff  }
0xd2: {  	v8 =	vld.idx.msk [tilespmem:v4+s22+$0x10 ss:$0x1], $0xffff;
	_ =	sdelay $0x1  }
0xd3: {  	v9 =	vld.idx.msk [tilespmem:v4+s22+$0x20 ss:$0x1], $0xffff;
	_ =	sdelay $0x1  }
0xd4: {  	v10 =	vld.idx.msk [tilespmem:v4+s22+$0x30 ss:$0x1], $0xffff  }
0xd5: {  	vm1 =	vgt.s32 v7, v8  }
0xd6: {  	v12 =	vld.idx.msk [tilespmem:v4+s22+$0x40 ss:$0x1], $0xffff;
	v11 =	vsel vm1, v8, v7  }
0xd7: {  	v8 =	vsel vm1, v7, v8;
	vm1 =	vlt.s32 v11, v9  }
0xd8: {  	v13 =	vld.idx.msk [tilespmem:v4+s22+$0x50 ss:$0x1], $0xffff;
	v11 =	vsel vm1, v11, v9;
	vm1 =	vgt.s32 v8, v9  }
0xd9: {  	v8 =	vsel vm1, v8, v9;
	vm1 =	vlt.s32 v11, v10  }
0xda: {  	v62 =	vld.idx.msk [tilespmem:v4+s22+$0x60 ss:$0x1], $0xffff;
	v61 =	vsel vm1, v11, v10;
	vm1 =	vgt.s32 v8, v10  }
0xdb: {  	v8 =	vsel vm1, v8, v10;
	vm1 =	vlt.s32 v61, v12  }
0xdc: {  	v63 =	vld.idx.msk [tilespmem:v4+s22+$0x6D ss:$0x1], $0xffff;
	v9 =	vsel vm1, v61, v12;
	vm1 =	vgt.s32 v8, v12  }
0xdd: {  	v8 =	vsel vm1, v8, v12;
	vm1 =	vlt.s32 v9, v13  }
0xde: {  	v9 =	vsel vm1, v9, v13;
	vm1 =	vgt.s32 v8, v13  }
0xdf: {  	v8 =	vsel vm1, v8, v13;
	vm1 =	vlt.s32 v9, v62  }
0xe0: {  	v9 =	vsel vm1, v9, v62;
	vm1 =	vgt.s32 v8, v62  }
0xe1: {  	v8 =	vsel vm1, v8, v62;
	vm1 =	vlt.s32 v9, v63  }
0xe2: {  	v9 =	vsel vm1, v9, v63;
	vm1 =	vgt.s32 v8, v63  }
0xe3: {  	v8 =	vsel vm1, v8, v63;
	v9 =	vxor.u32 $0x80000000, v9  }
0xe4: {  	(xrf0) =	vmin.scan.msk.u32 $0xffff, v9;
	v8 =	vxor.u32 $0x80000000, v8  }
0xe5: {  	(xrf0) =	vmax.scan.msk.u32 $0xffff, v8;
	_ =	sdelay $0x4  }
0xe6: {  	v8, _, _ =	vpop (xrf0)  }
0xe7: {  	(v2sf) =	vpush v8, $0xF;
	v8, _, _ =	vpop (xrf0)  }
0xe8: {  	(v2sf) =	vpush v8, $0xF;
	_ =	sdelay $0xd  }
0xe9: {  	s20 =	spop (v2sf)  }
0xea: {  	s30 =	spop (v2sf)  }
0xeb: {  	p1 =	seq.s32 s20, s30  }
.Ltmp7:
0xec: {  	_ = 	snop;
	(pc) =	sbr.rel @!p1 .LBB2_15-.Ltmp7, $2  }
0xed: {  	_ =	sdelay $0x2  }
0xee: {  	s22 =	sadd.s32 s11, s22  }
0xef: {  	s6 =	smulhi.u32 $0xAAAAAAAB, s18;
	_ =	sdelay $0x1  }
0xf0: {  	s6 =	sshrl.u32 s6, $0x2  }
0xf1: {  	s6 =	smul.u32 $0xFFFA2400, s6;
	_ =	sdelay $0x1  }
0xf2: {  	s6 =	sshra.s32 s6, $0x2  }
0xf3: {  	s6 =	sadd.s32 s6, s19  }
0xf4: {  	v9 =	vmov s6;
	_ =	sdelay $0x3  }
0xf5: {  	s21 =	simm.s32 $0x0  }
0xf6: {  	v12 =	vld.idx.msk [tilespmem:v9+s21+$0x200 ss:$0x1], $0xffff  }
0xf7: {  	v14 =	vld.idx.msk [tilespmem:v9+s21+$0x210 ss:$0x1], $0xffff  }
0xf8: {  	v15 =	vld.idx.msk [tilespmem:v9+s21+$0x220 ss:$0x1], $0xffff  }
0xf9: {  	v16 =	vld.idx.msk [tilespmem:v9+s21+$0x230 ss:$0x1], $0xffff  }
0xfa: {  	v8 =	vld.idx.msk [tilespmem:v9+s21+$0x240 ss:$0x1], $0xffff  }
0xfb: {  	v7 =	vld.idx.msk [tilespmem:v9+s21+$0x250 ss:$0x1], $0xffff  }
0xfc: {  	v21 =	vld.idx.msk [tilespmem:v9+s21+$0x180 ss:$0x1], $0xffff  }
0xfd: {  	v24 =	vld.idx.msk [tilespmem:v9+s21+$0x190 ss:$0x1], $0xffff  }
0xfe: {  	v18 =	vld.idx.msk [tilespmem:v9+s21+$0x1A0 ss:$0x1], $0xffff  }
0xff: {  	v22 =	vld.idx.msk [tilespmem:v9+s21+$0x1B0 ss:$0x1], $0xffff  }
0x100: {  	v11 =	vld.idx.msk [tilespmem:v9+s21+$0x1C0 ss:$0x1], $0xffff  }
0x101: {  	v10 =	vld.idx.msk [tilespmem:v9+s21+$0x1D0 ss:$0x1], $0xffff  }
0x102: {  	v19 =	vld.idx.msk [tilespmem:v9+s21+$0x100 ss:$0x1], $0xffff  }
0x103: {  	v23 =	vld.idx.msk [tilespmem:v9+s21+$0x110 ss:$0x1], $0xffff  }
0x104: {  	v28 =	vld.idx.msk [tilespmem:v9+s21+$0x120 ss:$0x1], $0xffff  }
0x105: {  	v29 =	vld.idx.msk [tilespmem:v9+s21+$0x130 ss:$0x1], $0xffff  }
0x106: {  	v25 =	vld.idx.msk [tilespmem:v9+s21+$0x80 ss:$0x1], $0xffff  }
0x107: {  	v30 =	vld.idx.msk [tilespmem:v9+s21+$0x90 ss:$0x1], $0xffff  }
0x108: {  	v26 =	vld.idx.msk [tilespmem:v9+s21+$0x0 ss:$0x1], $0xffff  }
0x109: {  	v27 =	vld.idx.msk [tilespmem:v9+s21+$0x10 ss:$0x1], $0xffff  }
0x10a: {  	v31 =	vld.idx.msk [tilespmem:v9+s21+$0x20 ss:$0x1], $0xffff  }
0x10b: {  	v32 =	vld.idx.msk [tilespmem:v9+s21+$0x30 ss:$0x1], $0xffff  }
0x10c: {  	v33 =	vld.idx.msk [tilespmem:v9+s21+$0xA0 ss:$0x1], $0xffff  }
0x10d: {  	v34 =	vld.idx.msk [tilespmem:v9+s21+$0xB0 ss:$0x1], $0xffff  }
0x10e: {  	v13 =	vimm.f32 $0.0e+00;
	v20 =	vld.idx.msk [tilespmem:v9+s21+$0x140 ss:$0x1], $0xffff  }
0x10f: {  	v17 =	vld.idx.msk [tilespmem:v9+s21+$0x150 ss:$0x1], $0xffff;
	v35 =	vadd.f32 v26, v13;
	v36 =	vadd.f32 v27, v13  }
0x110: {  	v26 =	vld.idx.msk [tilespmem:v9+s21+$0xC0 ss:$0x1], $0xffff;
	v31 =	vadd.f32 v31, v13;
	v32 =	vadd.f32 v32, v13  }
0x111: {  	v27 =	vld.idx.msk [tilespmem:v9+s21+$0xD0 ss:$0x1], $0xffff;
	v25 =	vadd.f32 v25, v35;
	v36 =	vadd.f32 v30, v36  }
0x112: {  	v30 =	vld.idx.msk [tilespmem:v9+s21+$0x40 ss:$0x1], $0xffff;
	v33 =	vadd.f32 v33, v31;
	v34 =	vadd.f32 v34, v32  }
0x113: {  	v31 =	vld.idx.msk [tilespmem:v9+s21+$0x50 ss:$0x1], $0xffff;
	v35 =	vadd.f32 v19, v25;
	v36 =	vadd.f32 v23, v36  }
0x114: {  	s22 =	simm.s32 $0xA00;
	v32 =	vld.idx.msk [tilespmem:v9+s21+$0x60 ss:$0x1], $0xffff;
	v25 =	vimm.f32 $0.0e+00;
	v23 =	vimm.f32 $0.0e+00;
	v19 =	vimm.f32 $0.0e+00  }
.LBB2_10:
0x115: {  	p2 =	sne.s32 s22, $0xF000;
	v37 =	vld.idx.msk [tilespmem:v9+s21+$0x70 ss:$0x1], $0xffff;
	v28 =	vadd.f32 v28, v33;
	v29 =	vadd.f32 v29, v34  }
0x116: {  	v33 =	vld.idx.msk [tilespmem:v9+s21+$0xE0 ss:$0x1], $0xffff;
	v21 =	vadd.f32 v21, v35;
	v24 =	vadd.f32 v24, v36  }
0x117: {  	v34 =	vld.idx.msk [tilespmem:v9+s21+$0xF0 ss:$0x1], $0xffff;
	v18 =	vadd.f32 v18, v28;
	v22 =	vadd.f32 v22, v29  }
0x118: {  	v28 =	vld.idx.msk [tilespmem:v9+s21+$0x160 ss:$0x1], $0xffff;
	v35 =	vadd.f32 v12, v21;
	v36 =	vadd.f32 v14, v24  }
0x119: {  	v21 =	vld.idx.msk [tilespmem:v9+s21+$0x170 ss:$0x1], $0xffff;
	v38 =	vadd.f32 v15, v18;
	v39 =	vadd.f32 v16, v22  }
0x11a: {  	v12 =	vadd.f32 v30, v13;
	v13 =	vadd.f32 v31, v25;
	v18 =	vld.idx.msk [tilespmem:v9+s21+$0x1E0 ss:$0x1], $0xffff  }
0x11b: {  	v14 =	vadd.f32 v32, v23;
	v15 =	vadd.f32 v37, v19;
	v19 =	vld.idx.msk [tilespmem:v9+s21+$0x1F0 ss:$0x1], $0xffff  }
0x11c: {  	v16 =	vadd.f32 v26, v12;
	v13 =	vadd.f32 v27, v13;
	v22 =	vld.idx.msk [tilespmem:v9+s21+$0x260 ss:$0x1], $0xffff  }
0x11d: {  	v23 =	vadd.f32 v33, v14;
	v15 =	vadd.f32 v34, v15;
	v24 =	vld.idx.msk [tilespmem:v9+s21+$0x270 ss:$0x1], $0xffff;
	s21 =	sshra.s32 s22, $0x2  }
0x11e: {  	v16 =	vadd.f32 v20, v16;
	v13 =	vadd.f32 v17, v13;
	v12 =	vld.idx.msk [tilespmem:v9+s21+$0x200 ss:$0x1], $0xffff  }
0x11f: {  	v17 =	vadd.f32 v28, v23;
	v20 =	vadd.f32 v21, v15;
	v14 =	vld.idx.msk [tilespmem:v9+s21+$0x210 ss:$0x1], $0xffff  }
0x120: {  	v11 =	vadd.f32 v11, v16;
	v10 =	vadd.f32 v10, v13;
	v15 =	vld.idx.msk [tilespmem:v9+s21+$0x220 ss:$0x1], $0xffff  }
0x121: {  	v17 =	vadd.f32 v18, v17;
	v18 =	vadd.f32 v19, v20;
	v16 =	vld.idx.msk [tilespmem:v9+s21+$0x230 ss:$0x1], $0xffff  }
0x122: {  	v13 =	vadd.f32 v8, v11;
	v25 =	vadd.f32 v7, v10;
	v8 =	vld.idx.msk [tilespmem:v9+s21+$0x240 ss:$0x1], $0xffff  }
0x123: {  	v23 =	vadd.f32 v22, v17;
	v19 =	vadd.f32 v24, v18;
	v7 =	vld.idx.msk [tilespmem:v9+s21+$0x250 ss:$0x1], $0xffff  }
0x124: {  	v21 =	vld.idx.msk [tilespmem:v9+s21+$0x180 ss:$0x1], $0xffff  }
0x125: {  	v24 =	vld.idx.msk [tilespmem:v9+s21+$0x190 ss:$0x1], $0xffff  }
0x126: {  	v18 =	vld.idx.msk [tilespmem:v9+s21+$0x1A0 ss:$0x1], $0xffff  }
0x127: {  	v22 =	vld.idx.msk [tilespmem:v9+s21+$0x1B0 ss:$0x1], $0xffff  }
0x128: {  	v11 =	vld.idx.msk [tilespmem:v9+s21+$0x1C0 ss:$0x1], $0xffff  }
0x129: {  	v10 =	vld.idx.msk [tilespmem:v9+s21+$0x1D0 ss:$0x1], $0xffff  }
0x12a: {  	v37 =	vld.idx.msk [tilespmem:v9+s21+$0x100 ss:$0x1], $0xffff  }
0x12b: {  	v40 =	vld.idx.msk [tilespmem:v9+s21+$0x110 ss:$0x1], $0xffff  }
0x12c: {  	v28 =	vld.idx.msk [tilespmem:v9+s21+$0x120 ss:$0x1], $0xffff  }
0x12d: {  	v29 =	vld.idx.msk [tilespmem:v9+s21+$0x130 ss:$0x1], $0xffff  }
0x12e: {  	v31 =	vld.idx.msk [tilespmem:v9+s21+$0x80 ss:$0x1], $0xffff  }
0x12f: {  	v32 =	vld.idx.msk [tilespmem:v9+s21+$0x90 ss:$0x1], $0xffff  }
0x130: {  	v26 =	vld.idx.msk [tilespmem:v9+s21+$0x0 ss:$0x1], $0xffff  }
0x131: {  	v27 =	vld.idx.msk [tilespmem:v9+s21+$0x10 ss:$0x1], $0xffff  }
0x132: {  	v30 =	vld.idx.msk [tilespmem:v9+s21+$0x20 ss:$0x1], $0xffff  }
0x133: {  	v33 =	vld.idx.msk [tilespmem:v9+s21+$0x30 ss:$0x1], $0xffff  }
0x134: {  	v34 =	vld.idx.msk [tilespmem:v9+s21+$0xA0 ss:$0x1], $0xffff  }
0x135: {  	v41 =	vld.idx.msk [tilespmem:v9+s21+$0xB0 ss:$0x1], $0xffff  }
0x136: {  	v20 =	vld.idx.msk [tilespmem:v9+s21+$0x140 ss:$0x1], $0xffff  }
0x137: {  	v17 =	vld.idx.msk [tilespmem:v9+s21+$0x150 ss:$0x1], $0xffff  }
.Ltmp8:
0x138: {  	v35 =	vadd.f32 v26, v35;
	v36 =	vadd.f32 v27, v36;
	v26 =	vld.idx.msk [tilespmem:v9+s21+$0xC0 ss:$0x1], $0xffff;
	(pc) =	sbr.rel @p2 .LBB2_10-.Ltmp8, $4  }
0x139: {  	v38 =	vadd.f32 v30, v38;
	v39 =	vadd.f32 v33, v39;
	v27 =	vld.idx.msk [tilespmem:v9+s21+$0xD0 ss:$0x1], $0xffff  }
0x13a: {  	v35 =	vadd.f32 v31, v35;
	v36 =	vadd.f32 v32, v36;
	v30 =	vld.idx.msk [tilespmem:v9+s21+$0x40 ss:$0x1], $0xffff  }
0x13b: {  	v33 =	vadd.f32 v34, v38;
	v34 =	vadd.f32 v41, v39;
	v31 =	vld.idx.msk [tilespmem:v9+s21+$0x50 ss:$0x1], $0xffff  }
0x13c: {  	s22 =	sadd.s32 $0xA00, s22;
	v35 =	vadd.f32 v37, v35;
	v36 =	vadd.f32 v40, v36;
	v32 =	vld.idx.msk [tilespmem:v9+s21+$0x60 ss:$0x1], $0xffff  }
0x13d: {  	_ =	sdelay $0x1  }
0x13e: {  	v28 =	vadd.f32 v28, v33;
	v29 =	vadd.f32 v29, v34  }
0x13f: {  	v21 =	vadd.f32 v21, v35;
	v24 =	vadd.f32 v24, v36  }
0x140: {  	v49 =	vld.idx.msk [tilespmem:v9+s21+$0x70 ss:$0x1], $0xffff;
	v18 =	vadd.f32 v18, v28;
	v22 =	vadd.f32 v22, v29  }
0x141: {  	v50 =	vld.idx.msk [tilespmem:v9+s21+$0xE0 ss:$0x1], $0xffff;
	v13 =	vadd.f32 v30, v13;
	v12 =	vadd.f32 v12, v21  }
0x142: {  	v51 =	vld.idx.msk [tilespmem:v9+s21+$0xF0 ss:$0x1], $0xffff;
	v14 =	vadd.f32 v14, v24;
	v54 =	vadd.f32 v31, v25  }
0x143: {  	v52 =	vld.idx.msk [tilespmem:v9+s21+$0x160 ss:$0x1], $0xffff;
	v15 =	vadd.f32 v15, v18;
	v16 =	vadd.f32 v16, v22  }
0x144: {  	v53 =	vld.idx.msk [tilespmem:v9+s21+$0x170 ss:$0x1], $0xffff;
	v23 =	vadd.f32 v32, v23;
	v13 =	vadd.f32 v26, v13  }
0x145: {  	v55 =	vld.idx.msk [tilespmem:v9+s21+$0x1E0 ss:$0x1], $0xffff;
	v19 =	vadd.f32 v49, v19;
	v22 =	vadd.f32 v27, v54  }
0x146: {  	v56 =	vld.idx.msk [tilespmem:v9+s21+$0x1F0 ss:$0x1], $0xffff;
	s6 =	sshll.u32 s18, $0x7;
	v23 =	vadd.f32 v50, v23;
	v13 =	vadd.f32 v20, v13  }
0x147: {  	v57 =	vld.idx.msk [tilespmem:v9+s21+$0x260 ss:$0x1], $0xffff;
	s6 =	sand.u32 $0x3FFFFF80, s6;
	v19 =	vadd.f32 v51, v19;
	v17 =	vadd.f32 v17, v22  }
0x148: {  	v58 =	vld.idx.msk [tilespmem:v9+s21+$0x270 ss:$0x1], $0xffff;
	[tilespmem:s6+$0x18BA8] =	vst v12;
	v59 =	vadd.f32 v52, v23;
	v11 =	vadd.f32 v11, v13  }
0x149: {  	[tilespmem:s6+$0x18BB8] =	vst v14;
	v60 =	vadd.f32 v53, v19;
	v10 =	vadd.f32 v10, v17  }
0x14a: {  	[tilespmem:s6+$0x18BC8] =	vst v15;
	v61 =	vadd.f32 v55, v59;
	v8 =	vadd.f32 v8, v11  }
.Ltmp9:
0x14b: {  	[tilespmem:s6+$0x18BD8] =	vst v16;
	v62 =	vadd.f32 v56, v60;
	v7 =	vadd.f32 v7, v10;
	(pc) =	sbr.rel .LBB2_12-.Ltmp9, $4  }
0x14c: {  	v63 =	vadd.f32 v57, v61;
	[tilespmem:s6+$0x18BE8] =	vst v8  }
0x14d: {  	v8 =	vadd.f32 v58, v62;
	[tilespmem:s6+$0x18BF8] =	vst v7  }
0x14e: {  	[tilespmem:s6+$0x18C08] =	vst v63  }
0x14f: {  	[tilespmem:s6+$0x18C18] =	vst v8  }
.LBB2_14:
0x150: {  	_ =	sfence.sel $0x180000  }
0x151: {  	[bflag:$0x0] =	sbarrier.arrive $0xFFFF  }
0x152: {  	_ =	strace $0x90000047  }
0x153: {  	[bflag:$0x2] =	sbarrier.arrive $0xFFFF  }
0x154: {  	s0 =	rddreg [dreg:$0x5]  }
0x155: {  	s0 =	sadd.s32 @!p0 $0x100000, s0  }
0x156: {  	[sflag:s0] =	ssyncadd.tile.s32 @!p0 $0x1;
	_ =	shalt  }
.Lfunc_end2:
_tile_overlayer_lowered:
.L_overlay_start_2:
0x157: {  	(tag) =	ssettag $0x2  }
0x158: {  	s0 =	rddreg [dreg:$0x0];
	s2 =	stileid.u32  }
0x159: {  	s1 =	rddreg [dreg:$0x1];
	p0 =	sne.s32 s2, $0x0  }
0x15a: {  	s3 =	rddreg [dreg:$0x2];
	[bflag:$0x3] =	sbarrier.arrive $0xFFFF;
	s2 =	simm.s32 @!p0 $0x1C08  }
0x15b: {  	[timem:s3], [sflag:s2] =	dma.local @!p0 [hbm:s0], s1  }
0x15c: {  	s0 =	simm.s32 @!p0 $0x8  }
0x15d: {  	_ =	swait.ge @!p0 [sflag:s0], s1  }
0x15e: {  	s1 =	ssub.s32 @!p0 $0x0, s1;
	[sflag:s0] =	ssyncset.done @!p0 $0x0  }
0x15f: {  	[sflag:s0] =	ssyncadd.s32 @!p0 s1  }
0x160: {  	[bflag:$0x3] =	sbarrier.arrive $0xFFFF  }
0x161: {  	_ =	shalt  }

</sc_bundles>
